<compile_context>
chip_gen: v7x
topology: tpu7x:2x2x1
jax: 0.10.2.dev20260603
libtpu: 0.0.44.dev20260713+nightly
codegen_flags: <defaults>
</compile_context>

<pallas_src>
import functools

import jax
import jax.numpy as jnp
from jax import lax
from jax.experimental import pallas as pl
from jax.experimental.pallas import tpu as pltpu
from jax.experimental.pallas import tpu_sc as plsc

N_NODES = 10000
C = 128
E = 320000
EPS = 1e-5

NC, NS, L = 2, 16, 16
NW = NC * NS
EPT = E // NW
CHUNK = 80
NCHUNK = EPT // CHUNK
NBUF = 3
N_PAD = 10112
STRIPE = N_PAD // NS


_sc_mesh = plsc.VectorSubcoreMesh(
    core_axis_name="c", subcore_axis_name="s", num_cores=NC, num_subcores=NS
)


def _sc_body(xt, g_hbm, r_hbm, out_s, out_c, acc, cnt,
             rows0, rows1, rows2, gb0, gb1, gb2, rb0, rb1, rb2,
             gs0, gs1, gs2, ss0, ss1, ss2,
             ig0, ig1, ig2, ir0, ir1, ir2):
    c = lax.axis_index("c")
    s = lax.axis_index("s")
    wid = c * NS + s
    ROWS = (rows0, rows1, rows2)
    GB = (gb0, gb1, gb2)
    RB = (rb0, rb1, rb2)
    GS = (gs0, gs1, gs2)
    SS = (ss0, ss1, ss2)
    IG = (ig0, ig1, ig2)
    IR = (ir0, ir1, ir2)

    ebase = wid * EPT

    def ig_start(a, b):
        pltpu.async_copy(g_hbm.at[pl.ds(ebase + a * CHUNK, CHUNK)], GB[b], IG[b])

    def ig_wait(b):
        pltpu.make_async_copy(g_hbm.at[pl.ds(0, CHUNK)], GB[b], IG[b]).wait()

    def ir_start(a, b):
        pltpu.async_copy(r_hbm.at[pl.ds(ebase + a * CHUNK, CHUNK)], RB[b], IR[b])

    def ir_wait(b):
        pltpu.make_async_copy(r_hbm.at[pl.ds(0, CHUNK)], RB[b], IR[b]).wait()

    def g_start(b):
        pltpu.async_copy(xt.at[GB[b]], ROWS[b], GS[b])

    def g_wait(b):
        pltpu.make_async_copy(xt.at[GB[b]], ROWS[b], GS[b]).wait()

    def s_wait(b):
        pltpu.make_async_copy(ROWS[b], acc.at[RB[b]], SS[b]).wait()

    ig_start(0, 0)
    ig_start(1, 1)
    ir_start(0, 0)
    ir_start(1, 1)
    ig_wait(0)
    g_start(0)
    ig_wait(1)
    g_start(1)

    zv = jnp.zeros((L,), jnp.float32)

    def zrow(i, carry):
        rows2[i // (C // L), pl.ds((i % (C // L)) * L, L)] = zv
        return carry

    lax.fori_loop(0, CHUNK * (C // L), zrow, 0)
    for k in range(STRIPE // CHUNK):
        pltpu.sync_copy(rows2, acc.at[pl.ds(s * STRIPE + k * CHUNK, CHUNK)])
    rem = STRIPE % CHUNK
    if rem:
        pltpu.sync_copy(
            rows2.at[pl.ds(0, rem)],
            acc.at[pl.ds(s * STRIPE + (STRIPE // CHUNK) * CHUNK, rem)],
        )

    def zcnt(i, carry):
        cnt[pl.ds(i * L, L)] = zv
        return carry

    lax.fori_loop(0, N_PAD // L, zcnt, 0)
    plsc.subcore_barrier()

    def counts(b):
        for k in range(CHUNK // L):
            v = RB[b][pl.ds(k * L, L)]
            r, last = plsc.scan_count(v)
            plsc.addupdate_scatter(cnt, [v], r.astype(jnp.float32), mask=last)

    def blocks(j, carry):
        for b in range(NBUF):
            a = NBUF * j + b

            @pl.when(a < NCHUNK)
            def _():
                b2 = (b + 2) % NBUF

                @pl.when(a + 2 < NCHUNK)
                def _():
                    ig_start(a + 2, b2)

                g_wait(b)
                ir_wait(b)
                pltpu.async_copy(ROWS[b], acc.at[RB[b]], SS[b], add=True)

                @pl.when(a + 2 < NCHUNK)
                def _():
                    @pl.when(a >= 1)
                    def _():
                        s_wait(b2)

                    ir_start(a + 2, b2)
                    ig_wait(b2)
                    g_start(b2)

                counts(b)

        return carry

    lax.fori_loop(0, (NCHUNK + NBUF - 1) // NBUF, blocks, 0)
    s_wait(0)
    s_wait(1)
    s_wait(2)

    plsc.subcore_barrier()
    pltpu.sync_copy(
        acc.at[pl.ds(s * STRIPE, STRIPE)],
        out_s.at[c, pl.ds(s * STRIPE, STRIPE)],
    )
    pltpu.sync_copy(cnt, out_c.at[c, s])


_sc_aggregate = functools.partial(
    pl.kernel,
    out_type=(
        jax.ShapeDtypeStruct((NC, N_PAD, C), jnp.float32),
        jax.ShapeDtypeStruct((NC, NS, N_PAD), jnp.float32),
    ),
    mesh=_sc_mesh,
    compiler_params=pltpu.CompilerParams(needs_layout_passes=False),
    scratch_types=[
        pltpu.VMEM_SHARED((N_PAD, C), jnp.float32),
        pltpu.VMEM((N_PAD,), jnp.float32),
        pltpu.VMEM((CHUNK, C), jnp.float32),
        pltpu.VMEM((CHUNK, C), jnp.float32),
        pltpu.VMEM((CHUNK, C), jnp.float32),
        pltpu.VMEM((CHUNK,), jnp.int32),
        pltpu.VMEM((CHUNK,), jnp.int32),
        pltpu.VMEM((CHUNK,), jnp.int32),
        pltpu.VMEM((CHUNK,), jnp.int32),
        pltpu.VMEM((CHUNK,), jnp.int32),
        pltpu.VMEM((CHUNK,), jnp.int32),
        pltpu.SemaphoreType.DMA,
        pltpu.SemaphoreType.DMA,
        pltpu.SemaphoreType.DMA,
        pltpu.SemaphoreType.DMA,
        pltpu.SemaphoreType.DMA,
        pltpu.SemaphoreType.DMA,
        pltpu.SemaphoreType.DMA,
        pltpu.SemaphoreType.DMA,
        pltpu.SemaphoreType.DMA,
        pltpu.SemaphoreType.DMA,
        pltpu.SemaphoreType.DMA,
        pltpu.SemaphoreType.DMA,
    ],
)(_sc_body)


def _tc_body(x_ref, p_ref, c_ref, wv_ref, wn_ref, g_ref, b_ref, a_ref, o_ref):
    x = x_ref[...]
    sums = p_ref[0, :N_NODES, :] + p_ref[1, :N_NODES, :]
    counts = jnp.sum(c_ref[...], axis=(0, 1))[:N_NODES]
    inv = 1.0 / jnp.maximum(counts, 1.0)
    zn = lax.dot_general(wn_ref[...], sums, (((1,), (1,)), ((), ())),
                         preferred_element_type=jnp.float32)
    zv = lax.dot_general(wv_ref[...], x, (((1,), (0,)), ((), ())),
                         preferred_element_type=jnp.float32)
    z = zv + zn * inv[None, :]
    mu = jnp.mean(z, axis=1, keepdims=True)
    var = jnp.mean(z * z, axis=1, keepdims=True) - mu * mu
    scale = g_ref[...] * lax.rsqrt(var + EPS)
    out = (z - mu) * scale + b_ref[...]
    alpha = a_ref[0, 0]
    o_ref[...] = jnp.where(out >= 0, out, alpha * out)


_tc_finish = pl.pallas_call(
    _tc_body,
    out_shape=jax.ShapeDtypeStruct((C, N_NODES), jnp.float32),
    in_specs=[
        pl.BlockSpec(memory_space=pltpu.VMEM),
        pl.BlockSpec(memory_space=pltpu.VMEM),
        pl.BlockSpec(memory_space=pltpu.VMEM),
        pl.BlockSpec(memory_space=pltpu.VMEM),
        pl.BlockSpec(memory_space=pltpu.VMEM),
        pl.BlockSpec(memory_space=pltpu.VMEM),
        pl.BlockSpec(memory_space=pltpu.VMEM),
        pl.BlockSpec(memory_space=pltpu.SMEM),
    ],
)


def kernel(in_features, W_v, W_n, gamma, beta, alpha, reduce_index, gather_index):
    x = in_features[0]
    xt = x.T
    psums, pcnts = _sc_aggregate(xt, gather_index, reduce_index)
    out = _tc_finish(
        x, psums, pcnts, W_v, W_n,
        gamma.reshape(C, 1), beta.reshape(C, 1),
        jnp.reshape(alpha, (1, 1)),
    )
    return out[None]

# --- scband reference (transcript-rebuilt; emitter-appended) ---
"""Pipeline reference for scband-graph-conv-82772609729053 (READ-ONLY COPY).

The authoritative reference and input builder live on the scoring server;
editing this copy changes nothing except your own understanding.
"""

import jax, jax.numpy as jnp
import numpy as np

N_NODES = 10000
N_EDGES = 320000
C_IN = 128
C_OUT = 128
B = 1
EPS = 1e-5


def setup_inputs(seed: int = 0) -> dict:
    key = jax.random.key(seed)
    ks = jax.random.split(key, 8)
    in_features = jax.random.normal(ks[0], (B, C_IN, N_NODES), dtype=jnp.float32)
    reduce_index = jax.random.randint(ks[1], (N_EDGES,), 0, N_NODES, dtype=jnp.int32)
    gather_index = jax.random.randint(ks[2], (N_EDGES,), 0, N_NODES, dtype=jnp.int32)
    # Conv1d(kernel_size=1) weights == dense [out, in] matrices (PyTorch kaiming-uniform-ish scale)
    bound = 1.0 / np.sqrt(C_IN)
    W_v = jax.random.uniform(ks[3], (C_OUT, C_IN), dtype=jnp.float32, minval=-bound, maxval=bound)
    W_n = jax.random.uniform(ks[4], (C_OUT, C_IN), dtype=jnp.float32, minval=-bound, maxval=bound)
    # BatchNorm1d affine params
    gamma = jnp.ones((C_OUT,), dtype=jnp.float32)
    beta = jnp.zeros((C_OUT,), dtype=jnp.float32)
    # PReLU single shared slope (torch default init 0.25)
    alpha = jnp.asarray(0.25, dtype=jnp.float32)
    return {
        "in_features": in_features,
        "W_v": W_v,
        "W_n": W_n,
        "gamma": gamma,
        "beta": beta,
        "alpha": alpha,
        "reduce_index": reduce_index,
        "gather_index": gather_index,
    }


def _graph_conv(in_features, W_v, W_n, gamma, beta, alpha, reduce_index, gather_index):
    # Conv1d with kernel_size=1 == per-position matmul over channels
    F_v = jnp.einsum("bcn,oc->bon", in_features, W_v)  # [B, C_OUT, N]
    F_n = jnp.einsum("bcn,oc->bon", in_features, W_n)  # [B, C_OUT, N]

    n = in_features.shape[2]
    # gather neighbor features along node axis: F_n[..., gather_index] -> [B, C_OUT, E]
    gathered = jnp.take(F_n, gather_index, axis=2)
    # index_reduce_(dim=2, reduce='mean', include_self=False):
    # per destination node, mean of gathered edge messages; untouched nodes stay 0.
    gathered_e_first = jnp.moveaxis(gathered, 2, 0)  # [E, B, C_OUT]
    sums = jax.ops.segment_sum(gathered_e_first, reduce_index, num_segments=n)  # [N, B, C_OUT]
    counts = jax.ops.segment_sum(
        jnp.ones((gathered_e_first.shape[0],), dtype=jnp.float32), reduce_index, num_segments=n
    )  # [N]
    denom = jnp.maximum(counts, 1.0)[:, None, None]
    mean = jnp.where(counts[:, None, None] > 0, sums / denom, 0.0)  # [N, B, C_OUT]
    out = jnp.moveaxis(mean, 0, 2)  # [B, C_OUT, N]
    out = out + F_v

    # BatchNorm1d (training mode: batch statistics over (B, N) per channel)
    mu = jnp.mean(out, axis=(0, 2), keepdims=True)
    var = jnp.var(out, axis=(0, 2), keepdims=True)
    out = (out - mu) / jnp.sqrt(var + EPS)
    out = out * gamma[None, :, None] + beta[None, :, None]

    # PReLU with shared scalar slope
    out = jnp.where(out >= 0, out, alpha * out)
    return out


def reference(in_features, W_v, W_n, gamma, beta, alpha, reduce_index, gather_index):
    return _graph_conv(in_features, W_v, W_n, gamma, beta, alpha, reduce_index, gather_index)

if __name__ == "__main__":
    import jax
    _d = setup_inputs()
    print(jax.jit(kernel)(*tuple(_d.values())))

</pallas_src>

<mosaic_0001>
#map = affine_map<(d0, d1) -> (0, 0)>
#map1 = affine_map<(d0, d1) -> (0)>
#map2 = affine_map<(d0, d1) -> (0, 0, 0)>
module attributes {stable_mosaic.version = 14 : i64} {
  func.func @_sc_body(%arg0: i32, %arg1: i32, %arg2: memref<10000x128xf32, #tpu.memory_space<hbm>>, %arg3: memref<320000xi32, #tpu.memory_space<hbm>>, %arg4: memref<320000xi32, #tpu.memory_space<hbm>>, %arg5: memref<2x10112x128xf32, #tpu.memory_space<hbm>>, %arg6: memref<2x16x10112xf32, #tpu.memory_space<hbm>>, %arg7: memref<10112x128xf32, #tpu.memory_space<vmem_shared>>, %arg8: memref<10112xf32, #tpu.memory_space<vmem>>, %arg9: memref<80x128xf32, #tpu.memory_space<vmem>>, %arg10: memref<80x128xf32, #tpu.memory_space<vmem>>, %arg11: memref<80x128xf32, #tpu.memory_space<vmem>>, %arg12: memref<80xi32, #tpu.memory_space<vmem>>, %arg13: memref<80xi32, #tpu.memory_space<vmem>>, %arg14: memref<80xi32, #tpu.memory_space<vmem>>, %arg15: memref<80xi32, #tpu.memory_space<vmem>>, %arg16: memref<80xi32, #tpu.memory_space<vmem>>, %arg17: memref<80xi32, #tpu.memory_space<vmem>>, %arg18: memref<!tpu.dma_semaphore, #tpu.memory_space<semaphore_mem>>, %arg19: memref<!tpu.dma_semaphore, #tpu.memory_space<semaphore_mem>>, %arg20: memref<!tpu.dma_semaphore, #tpu.memory_space<semaphore_mem>>, %arg21: memref<!tpu.dma_semaphore, #tpu.memory_space<semaphore_mem>>, %arg22: memref<!tpu.dma_semaphore, #tpu.memory_space<semaphore_mem>>, %arg23: memref<!tpu.dma_semaphore, #tpu.memory_space<semaphore_mem>>, %arg24: memref<!tpu.dma_semaphore, #tpu.memory_space<semaphore_mem>>, %arg25: memref<!tpu.dma_semaphore, #tpu.memory_space<semaphore_mem>>, %arg26: memref<!tpu.dma_semaphore, #tpu.memory_space<semaphore_mem>>, %arg27: memref<!tpu.dma_semaphore, #tpu.memory_space<semaphore_mem>>, %arg28: memref<!tpu.dma_semaphore, #tpu.memory_space<semaphore_mem>>, %arg29: memref<!tpu.dma_semaphore, #tpu.memory_space<semaphore_mem>>) attributes {dimension_semantics = [#tpu.dimension_semantics<core_parallel>, #tpu.dimension_semantics<subcore_parallel>], iteration_bounds = array<i64: 2, 16>, scalar_prefetch = 0 : i64, scratch_operands = 23 : i64, tpu.core_type = #tpu.core_type<sc_vector_subcore>, window_params = [{transform_indices = #map}, {transform_indices = #map1}, {transform_indices = #map1}, {transform_indices = #map2}, {transform_indices = #map2}]} {
    %mul3A = arith.constant 16 : i32
    %mul3A_0 = arith.muli %arg0, %mul3A : i32
    %add3A = arith.addi %mul3A_0, %arg1 : i32
    %mul3A_1 = arith.constant 10000 : i32
    %mul3A_2 = arith.muli %add3A, %mul3A_1 : i32
    %add3A_3 = arith.constant 0 : i32
    %add3A_4 = arith.addi %mul3A_2, %add3A_3 : i32
    %dma_start3A = tpu.memref_slice %arg3[%add3A_4] : memref<320000xi32, #tpu.memory_space<hbm>> -> memref<80xi32, #tpu.memory_space<hbm>>
    %dma_start3A_5 = tpu.memref_slice %arg3[%add3A_4] : memref<320000xi32, #tpu.memory_space<hbm>> -> memref<80xi32, #tpu.memory_space<hbm>>
    tpu.enqueue_dma source(%dma_start3A_5 : memref<80xi32, #tpu.memory_space<hbm>>) target(%arg12 : memref<80xi32, #tpu.memory_space<vmem>>) target_semaphore(%arg24 : memref<!tpu.dma_semaphore, #tpu.memory_space<semaphore_mem>>)
    %add3A_6 = arith.constant 80 : i32
    %add3A_7 = arith.addi %mul3A_2, %add3A_6 : i32
    %dma_start3A_8 = tpu.memref_slice %arg3[%add3A_7] : memref<320000xi32, #tpu.memory_space<hbm>> -> memref<80xi32, #tpu.memory_space<hbm>>
    %dma_start3A_9 = tpu.memref_slice %arg3[%add3A_7] : memref<320000xi32, #tpu.memory_space<hbm>> -> memref<80xi32, #tpu.memory_space<hbm>>
    tpu.enqueue_dma source(%dma_start3A_9 : memref<80xi32, #tpu.memory_space<hbm>>) target(%arg13 : memref<80xi32, #tpu.memory_space<vmem>>) target_semaphore(%arg25 : memref<!tpu.dma_semaphore, #tpu.memory_space<semaphore_mem>>)
    %add3A_10 = arith.constant 0 : i32
    %add3A_11 = arith.addi %mul3A_2, %add3A_10 : i32
    %dma_start3A_12 = tpu.memref_slice %arg4[%add3A_11] : memref<320000xi32, #tpu.memory_space<hbm>> -> memref<80xi32, #tpu.memory_space<hbm>>
    %dma_start3A_13 = tpu.memref_slice %arg4[%add3A_11] : memref<320000xi32, #tpu.memory_space<hbm>> -> memref<80xi32, #tpu.memory_space<hbm>>
    tpu.enqueue_dma source(%dma_start3A_13 : memref<80xi32, #tpu.memory_space<hbm>>) target(%arg15 : memref<80xi32, #tpu.memory_space<vmem>>) target_semaphore(%arg27 : memref<!tpu.dma_semaphore, #tpu.memory_space<semaphore_mem>>)
    %add3A_14 = arith.constant 80 : i32
    %add3A_15 = arith.addi %mul3A_2, %add3A_14 : i32
    %dma_start3A_16 = tpu.memref_slice %arg4[%add3A_15] : memref<320000xi32, #tpu.memory_space<hbm>> -> memref<80xi32, #tpu.memory_space<hbm>>
    %dma_start3A_17 = tpu.memref_slice %arg4[%add3A_15] : memref<320000xi32, #tpu.memory_space<hbm>> -> memref<80xi32, #tpu.memory_space<hbm>>
    tpu.enqueue_dma source(%dma_start3A_17 : memref<80xi32, #tpu.memory_space<hbm>>) target(%arg16 : memref<80xi32, #tpu.memory_space<vmem>>) target_semaphore(%arg28 : memref<!tpu.dma_semaphore, #tpu.memory_space<semaphore_mem>>)
    %dma_wait3A = arith.constant 0 : i32
    %dma_wait3A_18 = tpu.memref_slice %arg3[%dma_wait3A] : memref<320000xi32, #tpu.memory_space<hbm>> -> memref<80xi32, #tpu.memory_space<hbm>>
    %dma_wait3A_19 = arith.constant 0 : i32
    %dma_wait3A_20 = tpu.memref_slice %arg3[%dma_wait3A_19] : memref<320000xi32, #tpu.memory_space<hbm>> -> memref<80xi32, #tpu.memory_space<hbm>>
    tpu.wait_dma2 semaphore(%arg24 : memref<!tpu.dma_semaphore, #tpu.memory_space<semaphore_mem>>) src(%dma_wait3A_20 : memref<80xi32, #tpu.memory_space<hbm>>) dst(%arg12 : memref<80xi32, #tpu.memory_space<vmem>>)
    %dma_start3A_21 = arith.constant 0 : i32
    %dma_start3A_22 = arith.constant 0 : i32
    %dma_start3A_23 = tpu.memref_slice %arg2[%dma_start3A_21, %dma_start3A_22] : memref<10000x128xf32, #tpu.memory_space<hbm>> -> memref<10000x128xf32, #tpu.memory_space<hbm>>
    tpu.enqueue_indirect_dma source(%dma_start3A_23 : memref<10000x128xf32, #tpu.memory_space<hbm>>) target(%arg9 : memref<80x128xf32, #tpu.memory_space<vmem>>) offsets(%arg12 : memref<80xi32, #tpu.memory_space<vmem>>) semaphore(%arg18 : memref<!tpu.dma_semaphore, #tpu.memory_space<semaphore_mem>>)
    %dma_wait3A_24 = arith.constant 0 : i32
    %dma_wait3A_25 = tpu.memref_slice %arg3[%dma_wait3A_24] : memref<320000xi32, #tpu.memory_space<hbm>> -> memref<80xi32, #tpu.memory_space<hbm>>
    %dma_wait3A_26 = arith.constant 0 : i32
    %dma_wait3A_27 = tpu.memref_slice %arg3[%dma_wait3A_26] : memref<320000xi32, #tpu.memory_space<hbm>> -> memref<80xi32, #tpu.memory_space<hbm>>
    tpu.wait_dma2 semaphore(%arg25 : memref<!tpu.dma_semaphore, #tpu.memory_space<semaphore_mem>>) src(%dma_wait3A_27 : memref<80xi32, #tpu.memory_space<hbm>>) dst(%arg13 : memref<80xi32, #tpu.memory_space<vmem>>)
    %dma_start3A_28 = arith.constant 0 : i32
    %dma_start3A_29 = arith.constant 0 : i32
    %dma_start3A_30 = tpu.memref_slice %arg2[%dma_start3A_28, %dma_start3A_29] : memref<10000x128xf32, #tpu.memory_space<hbm>> -> memref<10000x128xf32, #tpu.memory_space<hbm>>
    tpu.enqueue_indirect_dma source(%dma_start3A_30 : memref<10000x128xf32, #tpu.memory_space<hbm>>) target(%arg10 : memref<80x128xf32, #tpu.memory_space<vmem>>) offsets(%arg13 : memref<80xi32, #tpu.memory_space<vmem>>) semaphore(%arg19 : memref<!tpu.dma_semaphore, #tpu.memory_space<semaphore_mem>>)
    %broadcast_in_dim3A = arith.constant 0.000000e+00 : f32
    %broadcast_in_dim3A_31 = vector.broadcast %broadcast_in_dim3A : f32 to vector<16xf32>
    %scan3A = arith.constant 0 : i32
    %scan3A_32 = arith.constant 0 : i32
    %scan3A_33 = arith.constant 640 : i32
    %scan3A_34 = arith.addi %scan3A_32, %scan3A_33 : i32
    %scan3A_35 = arith.constant 1 : i32
    scf.for %scan3A_95 = %scan3A_32 to %scan3A_34 step %scan3A_35  : i32 {
      %jit3A = arith.constant 8 : i32
      %div3A = arith.divsi %scan3A_95, %jit3A : i32
      %sign3A = arith.constant 0 : i32
      %sign3A_96 = arith.cmpi sgt, %scan3A_95, %sign3A : i32
      %sign3A_97 = arith.extui %sign3A_96 : i1 to i32
      %sign3A_98 = arith.constant 0 : i32
      %sign3A_99 = arith.cmpi slt, %scan3A_95, %sign3A_98 : i32
      %sign3A_100 = arith.extui %sign3A_99 : i1 to i32
      %sign3A_101 = arith.subi %sign3A_97, %sign3A_100 : i32
      %sign3A_102 = arith.constant 0 : i32
      %sign3A_103 = arith.cmpi sgt, %jit3A, %sign3A_102 : i32
      %sign3A_104 = arith.extui %sign3A_103 : i1 to i32
      %sign3A_105 = arith.constant 0 : i32
      %sign3A_106 = arith.cmpi slt, %jit3A, %sign3A_105 : i32
      %sign3A_107 = arith.extui %sign3A_106 : i1 to i32
      %sign3A_108 = arith.subi %sign3A_104, %sign3A_107 : i32
      %ne3A = arith.cmpi ne, %sign3A_101, %sign3A_108 : i32
      %rem3A = arith.remsi %scan3A_95, %jit3A : i32
      %ne3A_109 = arith.constant 0 : i32
      %ne3A_110 = arith.cmpi ne, %rem3A, %ne3A_109 : i32
      %and3A = arith.andi %ne3A, %ne3A_110 : i1
      %sub3A = arith.constant 1 : i32
      %sub3A_111 = arith.subi %div3A, %sub3A : i32
      %select_n3A = arith.select %and3A, %sub3A_111, %div3A : i32
      %jit3A_112 = arith.constant 8 : i32
      %eq3A = arith.constant 0 : i32
      %eq3A_113 = arith.cmpi eq, %jit3A_112, %eq3A : i32
      %jit3A_114 = arith.constant 1 : i32
      %select_n3A_115 = arith.select %eq3A_113, %jit3A_114, %jit3A_112 : i32
      %rem3A_116 = arith.remsi %scan3A_95, %select_n3A_115 : i32
      %ne3A_117 = arith.constant 0 : i32
      %ne3A_118 = arith.cmpi ne, %rem3A_116, %ne3A_117 : i32
      %lt3A = arith.constant 0 : i32
      %lt3A_119 = arith.cmpi slt, %rem3A_116, %lt3A : i32
      %lt3A_120 = arith.constant 0 : i32
      %lt3A_121 = arith.cmpi slt, %select_n3A_115, %lt3A_120 : i32
      %ne3A_122 = arith.xori %lt3A_119, %lt3A_121 : i1
      %and3A_123 = arith.andi %ne3A_122, %ne3A_118 : i1
      %add3A_124 = arith.addi %rem3A_116, %select_n3A_115 : i32
      %select_n3A_125 = arith.select %and3A_123, %add3A_124, %rem3A_116 : i32
      %mul3A_126 = arith.constant 16 : i32
      %mul3A_127 = arith.muli %select_n3A_125, %mul3A_126 : i32
      %swap3A = arith.index_cast %select_n3A : i32 to index
      %swap3A_128 = arith.index_cast %mul3A_127 : i32 to index
      %swap3A_129 = tpu.vector_load %arg11[%swap3A, %swap3A_128] {strides = array<i32>} : memref<80x128xf32, #tpu.memory_space<vmem>>, vector<16xf32>,
      tpu.vector_store %arg11[%swap3A, %swap3A_128], %broadcast_in_dim3A_31 {strides = array<i32>} : memref<80x128xf32, #tpu.memory_space<vmem>>, vector<16xf32>,
    }
    %scan3A_36 = arith.constant 640 : i32
    %mul3A_37 = arith.constant 632 : i32
    %mul3A_38 = arith.muli %arg1, %mul3A_37 : i32
    %add3A_39 = arith.constant 0 : i32
    %add3A_40 = arith.addi %mul3A_38, %add3A_39 : i32
    "tpu.region"() ({
      %run_scoped3A = tpu.sem_alloc : memref<!tpu.dma_semaphore, #tpu.memory_space<semaphore_mem>>
      %dma_start3A_95 = arith.constant 0 : i32
      %dma_start3A_96 = tpu.memref_slice %arg7[%add3A_40, %dma_start3A_95] : memref<10112x128xf32, #tpu.memory_space<vmem_shared>> -> memref<80x128xf32, #tpu.memory_space<vmem_shared>>
      %dma_start3A_97 = arith.constant 0 : i32
      %dma_start3A_98 = tpu.memref_slice %arg7[%add3A_40, %dma_start3A_97] : memref<10112x128xf32, #tpu.memory_space<vmem_shared>> -> memref<80x128xf32, #tpu.memory_space<vmem_shared>>
      tpu.enqueue_dma source(%arg11 : memref<80x128xf32, #tpu.memory_space<vmem>>) target(%dma_start3A_98 : memref<80x128xf32, #tpu.memory_space<vmem_shared>>) target_semaphore(%run_scoped3A : memref<!tpu.dma_semaphore, #tpu.memory_space<semaphore_mem>>)
      %dma_wait3A_99 = arith.constant 0 : i32
      %dma_wait3A_100 = tpu.memref_slice %arg7[%add3A_40, %dma_wait3A_99] : memref<10112x128xf32, #tpu.memory_space<vmem_shared>> -> memref<80x128xf32, #tpu.memory_space<vmem_shared>>
      %dma_wait3A_101 = arith.constant 0 : i32
      %dma_wait3A_102 = tpu.memref_slice %arg7[%add3A_40, %dma_wait3A_101] : memref<10112x128xf32, #tpu.memory_space<vmem_shared>> -> memref<80x128xf32, #tpu.memory_space<vmem_shared>>
      tpu.wait_dma2 semaphore(%run_scoped3A : memref<!tpu.dma_semaphore, #tpu.memory_space<semaphore_mem>>) src(%arg11 : memref<80x128xf32, #tpu.memory_space<vmem>>) dst(%dma_wait3A_102 : memref<80x128xf32, #tpu.memory_space<vmem_shared>>)
      tpu.yield
    }) : () -> ()
    %mul3A_41 = arith.constant 632 : i32
    %mul3A_42 = arith.muli %arg1, %mul3A_41 : i32
    %add3A_43 = arith.constant 80 : i32
    %add3A_44 = arith.addi %mul3A_42, %add3A_43 : i32
    "tpu.region"() ({
      %run_scoped3A = tpu.sem_alloc : memref<!tpu.dma_semaphore, #tpu.memory_space<semaphore_mem>>
      %dma_start3A_95 = arith.constant 0 : i32
      %dma_start3A_96 = tpu.memref_slice %arg7[%add3A_44, %dma_start3A_95] : memref<10112x128xf32, #tpu.memory_space<vmem_shared>> -> memref<80x128xf32, #tpu.memory_space<vmem_shared>>
      %dma_start3A_97 = arith.constant 0 : i32
      %dma_start3A_98 = tpu.memref_slice %arg7[%add3A_44, %dma_start3A_97] : memref<10112x128xf32, #tpu.memory_space<vmem_shared>> -> memref<80x128xf32, #tpu.memory_space<vmem_shared>>
      tpu.enqueue_dma source(%arg11 : memref<80x128xf32, #tpu.memory_space<vmem>>) target(%dma_start3A_98 : memref<80x128xf32, #tpu.memory_space<vmem_shared>>) target_semaphore(%run_scoped3A : memref<!tpu.dma_semaphore, #tpu.memory_space<semaphore_mem>>)
      %dma_wait3A_99 = arith.constant 0 : i32
      %dma_wait3A_100 = tpu.memref_slice %arg7[%add3A_44, %dma_wait3A_99] : memref<10112x128xf32, #tpu.memory_space<vmem_shared>> -> memref<80x128xf32, #tpu.memory_space<vmem_shared>>
      %dma_wait3A_101 = arith.constant 0 : i32
      %dma_wait3A_102 = tpu.memref_slice %arg7[%add3A_44, %dma_wait3A_101] : memref<10112x128xf32, #tpu.memory_space<vmem_shared>> -> memref<80x128xf32, #tpu.memory_space<vmem_shared>>
      tpu.wait_dma2 semaphore(%run_scoped3A : memref<!tpu.dma_semaphore, #tpu.memory_space<semaphore_mem>>) src(%arg11 : memref<80x128xf32, #tpu.memory_space<vmem>>) dst(%dma_wait3A_102 : memref<80x128xf32, #tpu.memory_space<vmem_shared>>)
      tpu.yield
    }) : () -> ()
    %mul3A_45 = arith.constant 632 : i32
    %mul3A_46 = arith.muli %arg1, %mul3A_45 : i32
    %add3A_47 = arith.constant 160 : i32
    %add3A_48 = arith.addi %mul3A_46, %add3A_47 : i32
    "tpu.region"() ({
      %run_scoped3A = tpu.sem_alloc : memref<!tpu.dma_semaphore, #tpu.memory_space<semaphore_mem>>
      %dma_start3A_95 = arith.constant 0 : i32
      %dma_start3A_96 = tpu.memref_slice %arg7[%add3A_48, %dma_start3A_95] : memref<10112x128xf32, #tpu.memory_space<vmem_shared>> -> memref<80x128xf32, #tpu.memory_space<vmem_shared>>
      %dma_start3A_97 = arith.constant 0 : i32
      %dma_start3A_98 = tpu.memref_slice %arg7[%add3A_48, %dma_start3A_97] : memref<10112x128xf32, #tpu.memory_space<vmem_shared>> -> memref<80x128xf32, #tpu.memory_space<vmem_shared>>
      tpu.enqueue_dma source(%arg11 : memref<80x128xf32, #tpu.memory_space<vmem>>) target(%dma_start3A_98 : memref<80x128xf32, #tpu.memory_space<vmem_shared>>) target_semaphore(%run_scoped3A : memref<!tpu.dma_semaphore, #tpu.memory_space<semaphore_mem>>)
      %dma_wait3A_99 = arith.constant 0 : i32
      %dma_wait3A_100 = tpu.memref_slice %arg7[%add3A_48, %dma_wait3A_99] : memref<10112x128xf32, #tpu.memory_space<vmem_shared>> -> memref<80x128xf32, #tpu.memory_space<vmem_shared>>
      %dma_wait3A_101 = arith.constant 0 : i32
      %dma_wait3A_102 = tpu.memref_slice %arg7[%add3A_48, %dma_wait3A_101] : memref<10112x128xf32, #tpu.memory_space<vmem_shared>> -> memref<80x128xf32, #tpu.memory_space<vmem_shared>>
      tpu.wait_dma2 semaphore(%run_scoped3A : memref<!tpu.dma_semaphore, #tpu.memory_space<semaphore_mem>>) src(%arg11 : memref<80x128xf32, #tpu.memory_space<vmem>>) dst(%dma_wait3A_102 : memref<80x128xf32, #tpu.memory_space<vmem_shared>>)
      tpu.yield
    }) : () -> ()
    %mul3A_49 = arith.constant 632 : i32
    %mul3A_50 = arith.muli %arg1, %mul3A_49 : i32
    %add3A_51 = arith.constant 240 : i32
    %add3A_52 = arith.addi %mul3A_50, %add3A_51 : i32
    "tpu.region"() ({
      %run_scoped3A = tpu.sem_alloc : memref<!tpu.dma_semaphore, #tpu.memory_space<semaphore_mem>>
      %dma_start3A_95 = arith.constant 0 : i32
      %dma_start3A_96 = tpu.memref_slice %arg7[%add3A_52, %dma_start3A_95] : memref<10112x128xf32, #tpu.memory_space<vmem_shared>> -> memref<80x128xf32, #tpu.memory_space<vmem_shared>>
      %dma_start3A_97 = arith.constant 0 : i32
      %dma_start3A_98 = tpu.memref_slice %arg7[%add3A_52, %dma_start3A_97] : memref<10112x128xf32, #tpu.memory_space<vmem_shared>> -> memref<80x128xf32, #tpu.memory_space<vmem_shared>>
      tpu.enqueue_dma source(%arg11 : memref<80x128xf32, #tpu.memory_space<vmem>>) target(%dma_start3A_98 : memref<80x128xf32, #tpu.memory_space<vmem_shared>>) target_semaphore(%run_scoped3A : memref<!tpu.dma_semaphore, #tpu.memory_space<semaphore_mem>>)
      %dma_wait3A_99 = arith.constant 0 : i32
      %dma_wait3A_100 = tpu.memref_slice %arg7[%add3A_52, %dma_wait3A_99] : memref<10112x128xf32, #tpu.memory_space<vmem_shared>> -> memref<80x128xf32, #tpu.memory_space<vmem_shared>>
      %dma_wait3A_101 = arith.constant 0 : i32
      %dma_wait3A_102 = tpu.memref_slice %arg7[%add3A_52, %dma_wait3A_101] : memref<10112x128xf32, #tpu.memory_space<vmem_shared>> -> memref<80x128xf32, #tpu.memory_space<vmem_shared>>
      tpu.wait_dma2 semaphore(%run_scoped3A : memref<!tpu.dma_semaphore, #tpu.memory_space<semaphore_mem>>) src(%arg11 : memref<80x128xf32, #tpu.memory_space<vmem>>) dst(%dma_wait3A_102 : memref<80x128xf32, #tpu.memory_space<vmem_shared>>)
      tpu.yield
    }) : () -> ()
    %mul3A_53 = arith.constant 632 : i32
    %mul3A_54 = arith.muli %arg1, %mul3A_53 : i32
    %add3A_55 = arith.constant 320 : i32
    %add3A_56 = arith.addi %mul3A_54, %add3A_55 : i32
    "tpu.region"() ({
      %run_scoped3A = tpu.sem_alloc : memref<!tpu.dma_semaphore, #tpu.memory_space<semaphore_mem>>
      %dma_start3A_95 = arith.constant 0 : i32
      %dma_start3A_96 = tpu.memref_slice %arg7[%add3A_56, %dma_start3A_95] : memref<10112x128xf32, #tpu.memory_space<vmem_shared>> -> memref<80x128xf32, #tpu.memory_space<vmem_shared>>
      %dma_start3A_97 = arith.constant 0 : i32
      %dma_start3A_98 = tpu.memref_slice %arg7[%add3A_56, %dma_start3A_97] : memref<10112x128xf32, #tpu.memory_space<vmem_shared>> -> memref<80x128xf32, #tpu.memory_space<vmem_shared>>
      tpu.enqueue_dma source(%arg11 : memref<80x128xf32, #tpu.memory_space<vmem>>) target(%dma_start3A_98 : memref<80x128xf32, #tpu.memory_space<vmem_shared>>) target_semaphore(%run_scoped3A : memref<!tpu.dma_semaphore, #tpu.memory_space<semaphore_mem>>)
      %dma_wait3A_99 = arith.constant 0 : i32
      %dma_wait3A_100 = tpu.memref_slice %arg7[%add3A_56, %dma_wait3A_99] : memref<10112x128xf32, #tpu.memory_space<vmem_shared>> -> memref<80x128xf32, #tpu.memory_space<vmem_shared>>
      %dma_wait3A_101 = arith.constant 0 : i32
      %dma_wait3A_102 = tpu.memref_slice %arg7[%add3A_56, %dma_wait3A_101] : memref<10112x128xf32, #tpu.memory_space<vmem_shared>> -> memref<80x128xf32, #tpu.memory_space<vmem_shared>>
      tpu.wait_dma2 semaphore(%run_scoped3A : memref<!tpu.dma_semaphore, #tpu.memory_space<semaphore_mem>>) src(%arg11 : memref<80x128xf32, #tpu.memory_space<vmem>>) dst(%dma_wait3A_102 : memref<80x128xf32, #tpu.memory_space<vmem_shared>>)
      tpu.yield
    }) : () -> ()
    %mul3A_57 = arith.constant 632 : i32
    %mul3A_58 = arith.muli %arg1, %mul3A_57 : i32
    %add3A_59 = arith.constant 400 : i32
    %add3A_60 = arith.addi %mul3A_58, %add3A_59 : i32
    "tpu.region"() ({
      %run_scoped3A = tpu.sem_alloc : memref<!tpu.dma_semaphore, #tpu.memory_space<semaphore_mem>>
      %dma_start3A_95 = arith.constant 0 : i32
      %dma_start3A_96 = tpu.memref_slice %arg7[%add3A_60, %dma_start3A_95] : memref<10112x128xf32, #tpu.memory_space<vmem_shared>> -> memref<80x128xf32, #tpu.memory_space<vmem_shared>>
      %dma_start3A_97 = arith.constant 0 : i32
      %dma_start3A_98 = tpu.memref_slice %arg7[%add3A_60, %dma_start3A_97] : memref<10112x128xf32, #tpu.memory_space<vmem_shared>> -> memref<80x128xf32, #tpu.memory_space<vmem_shared>>
      tpu.enqueue_dma source(%arg11 : memref<80x128xf32, #tpu.memory_space<vmem>>) target(%dma_start3A_98 : memref<80x128xf32, #tpu.memory_space<vmem_shared>>) target_semaphore(%run_scoped3A : memref<!tpu.dma_semaphore, #tpu.memory_space<semaphore_mem>>)
      %dma_wait3A_99 = arith.constant 0 : i32
      %dma_wait3A_100 = tpu.memref_slice %arg7[%add3A_60, %dma_wait3A_99] : memref<10112x128xf32, #tpu.memory_space<vmem_shared>> -> memref<80x128xf32, #tpu.memory_space<vmem_shared>>
      %dma_wait3A_101 = arith.constant 0 : i32
      %dma_wait3A_102 = tpu.memref_slice %arg7[%add3A_60, %dma_wait3A_101] : memref<10112x128xf32, #tpu.memory_space<vmem_shared>> -> memref<80x128xf32, #tpu.memory_space<vmem_shared>>
      tpu.wait_dma2 semaphore(%run_scoped3A : memref<!tpu.dma_semaphore, #tpu.memory_space<semaphore_mem>>) src(%arg11 : memref<80x128xf32, #tpu.memory_space<vmem>>) dst(%dma_wait3A_102 : memref<80x128xf32, #tpu.memory_space<vmem_shared>>)
      tpu.yield
    }) : () -> ()
    %mul3A_61 = arith.constant 632 : i32
    %mul3A_62 = arith.muli %arg1, %mul3A_61 : i32
    %add3A_63 = arith.constant 480 : i32
    %add3A_64 = arith.addi %mul3A_62, %add3A_63 : i32
    "tpu.region"() ({
      %run_scoped3A = tpu.sem_alloc : memref<!tpu.dma_semaphore, #tpu.memory_space<semaphore_mem>>
      %dma_start3A_95 = arith.constant 0 : i32
      %dma_start3A_96 = tpu.memref_slice %arg7[%add3A_64, %dma_start3A_95] : memref<10112x128xf32, #tpu.memory_space<vmem_shared>> -> memref<80x128xf32, #tpu.memory_space<vmem_shared>>
      %dma_start3A_97 = arith.constant 0 : i32
      %dma_start3A_98 = tpu.memref_slice %arg7[%add3A_64, %dma_start3A_97] : memref<10112x128xf32, #tpu.memory_space<vmem_shared>> -> memref<80x128xf32, #tpu.memory_space<vmem_shared>>
      tpu.enqueue_dma source(%arg11 : memref<80x128xf32, #tpu.memory_space<vmem>>) target(%dma_start3A_98 : memref<80x128xf32, #tpu.memory_space<vmem_shared>>) target_semaphore(%run_scoped3A : memref<!tpu.dma_semaphore, #tpu.memory_space<semaphore_mem>>)
      %dma_wait3A_99 = arith.constant 0 : i32
      %dma_wait3A_100 = tpu.memref_slice %arg7[%add3A_64, %dma_wait3A_99] : memref<10112x128xf32, #tpu.memory_space<vmem_shared>> -> memref<80x128xf32, #tpu.memory_space<vmem_shared>>
      %dma_wait3A_101 = arith.constant 0 : i32
      %dma_wait3A_102 = tpu.memref_slice %arg7[%add3A_64, %dma_wait3A_101] : memref<10112x128xf32, #tpu.memory_space<vmem_shared>> -> memref<80x128xf32, #tpu.memory_space<vmem_shared>>
      tpu.wait_dma2 semaphore(%run_scoped3A : memref<!tpu.dma_semaphore, #tpu.memory_space<semaphore_mem>>) src(%arg11 : memref<80x128xf32, #tpu.memory_space<vmem>>) dst(%dma_wait3A_102 : memref<80x128xf32, #tpu.memory_space<vmem_shared>>)
      tpu.yield
    }) : () -> ()
    %mul3A_65 = arith.constant 632 : i32
    %mul3A_66 = arith.muli %arg1, %mul3A_65 : i32
    %add3A_67 = arith.constant 560 : i32
    %add3A_68 = arith.addi %mul3A_66, %add3A_67 : i32
    "tpu.region"() ({
      %run_scoped3A = tpu.sem_alloc : memref<!tpu.dma_semaphore, #tpu.memory_space<semaphore_mem>>
      %dma_start3A_95 = arith.constant 0 : i32
      %dma_start3A_96 = arith.constant 0 : i32
      %dma_start3A_97 = tpu.memref_slice %arg11[%dma_start3A_95, %dma_start3A_96] : memref<80x128xf32, #tpu.memory_space<vmem>> -> memref<72x128xf32, #tpu.memory_space<vmem>>
      %dma_start3A_98 = arith.constant 0 : i32
      %dma_start3A_99 = tpu.memref_slice %arg7[%add3A_68, %dma_start3A_98] : memref<10112x128xf32, #tpu.memory_space<vmem_shared>> -> memref<72x128xf32, #tpu.memory_space<vmem_shared>>
      %dma_start3A_100 = arith.constant 0 : i32
      %dma_start3A_101 = tpu.memref_slice %arg7[%add3A_68, %dma_start3A_100] : memref<10112x128xf32, #tpu.memory_space<vmem_shared>> -> memref<72x128xf32, #tpu.memory_space<vmem_shared>>
      %dma_start3A_102 = arith.constant 0 : i32
      %dma_start3A_103 = arith.constant 0 : i32
      %dma_start3A_104 = tpu.memref_slice %arg11[%dma_start3A_102, %dma_start3A_103] : memref<80x128xf32, #tpu.memory_space<vmem>> -> memref<72x128xf32, #tpu.memory_space<vmem>>
      tpu.enqueue_dma source(%dma_start3A_104 : memref<72x128xf32, #tpu.memory_space<vmem>>) target(%dma_start3A_101 : memref<72x128xf32, #tpu.memory_space<vmem_shared>>) target_semaphore(%run_scoped3A : memref<!tpu.dma_semaphore, #tpu.memory_space<semaphore_mem>>)
      %dma_wait3A_105 = arith.constant 0 : i32
      %dma_wait3A_106 = arith.constant 0 : i32
      %dma_wait3A_107 = tpu.memref_slice %arg11[%dma_wait3A_105, %dma_wait3A_106] : memref<80x128xf32, #tpu.memory_space<vmem>> -> memref<72x128xf32, #tpu.memory_space<vmem>>
      %dma_wait3A_108 = arith.constant 0 : i32
      %dma_wait3A_109 = tpu.memref_slice %arg7[%add3A_68, %dma_wait3A_108] : memref<10112x128xf32, #tpu.memory_space<vmem_shared>> -> memref<72x128xf32, #tpu.memory_space<vmem_shared>>
      %dma_wait3A_110 = arith.constant 0 : i32
      %dma_wait3A_111 = tpu.memref_slice %arg7[%add3A_68, %dma_wait3A_110] : memref<10112x128xf32, #tpu.memory_space<vmem_shared>> -> memref<72x128xf32, #tpu.memory_space<vmem_shared>>
      %dma_wait3A_112 = arith.constant 0 : i32
      %dma_wait3A_113 = arith.constant 0 : i32
      %dma_wait3A_114 = tpu.memref_slice %arg11[%dma_wait3A_112, %dma_wait3A_113] : memref<80x128xf32, #tpu.memory_space<vmem>> -> memref<72x128xf32, #tpu.memory_space<vmem>>
      tpu.wait_dma2 semaphore(%run_scoped3A : memref<!tpu.dma_semaphore, #tpu.memory_space<semaphore_mem>>) src(%dma_wait3A_114 : memref<72x128xf32, #tpu.memory_space<vmem>>) dst(%dma_wait3A_111 : memref<72x128xf32, #tpu.memory_space<vmem_shared>>)
      tpu.yield
    }) : () -> ()
    %scan3A_69 = arith.constant 0 : i32
    %scan3A_70 = arith.constant 0 : i32
    %scan3A_71 = arith.constant 632 : i32
    %scan3A_72 = arith.addi %scan3A_70, %scan3A_71 : i32
    %scan3A_73 = arith.constant 1 : i32
    scf.for %scan3A_95 = %scan3A_70 to %scan3A_72 step %scan3A_73  : i32 {
      %mul3A_96 = arith.constant 16 : i32
      %mul3A_97 = arith.muli %scan3A_95, %mul3A_96 : i32
      %swap3A = arith.index_cast %mul3A_97 : i32 to index
      %swap3A_98 = tpu.vector_load %arg8[%swap3A] {strides = array<i32>} : memref<10112xf32, #tpu.memory_space<vmem>>, vector<16xf32>,
      tpu.vector_store %arg8[%swap3A], %broadcast_in_dim3A_31 {strides = array<i32>} : memref<10112xf32, #tpu.memory_space<vmem>>, vector<16xf32>,
    }
    %scan3A_74 = arith.constant 632 : i32
    %barrier3A = arith.constant 0 : index
    tpu.barrier barrier_id(%barrier3A)
    %scan3A_75 = arith.constant 0 : i32
    %scan3A_76 = arith.constant 0 : i32
    %scan3A_77 = arith.constant 42 : i32
    %scan3A_78 = arith.addi %scan3A_76, %scan3A_77 : i32
    %scan3A_79 = arith.constant 1 : i32
    scf.for %scan3A_95 = %scan3A_76 to %scan3A_78 step %scan3A_79  : i32 {
      %mul3A_96 = arith.constant 3 : i32
      %mul3A_97 = arith.muli %mul3A_96, %scan3A_95 : i32
      %add3A_98 = arith.constant 0 : i32
      %add3A_99 = arith.addi %mul3A_97, %add3A_98 : i32
      %lt3A = arith.constant 125 : i32
      %lt3A_100 = arith.cmpi slt, %add3A_99, %lt3A : i32
      %convert_element_type3A = arith.extui %lt3A_100 : i1 to i32
      %cond3A = arith.constant 0 : i32
      %cond3A_101 = arith.cmpi ne, %convert_element_type3A, %cond3A : i32
      scf.if %cond3A_101 {
        %add3A_120 = arith.constant 2 : i32
        %add3A_121 = arith.addi %add3A_99, %add3A_120 : i32
        %lt3A_122 = arith.constant 125 : i32
        %lt3A_123 = arith.cmpi slt, %add3A_121, %lt3A_122 : i32
        %convert_element_type3A_124 = arith.extui %lt3A_123 : i1 to i32
        %cond3A_125 = arith.constant 0 : i32
        %cond3A_126 = arith.cmpi ne, %convert_element_type3A_124, %cond3A_125 : i32
        scf.if %cond3A_126 {
          %add3A_177 = arith.constant 2 : i32
          %add3A_178 = arith.addi %add3A_99, %add3A_177 : i32
          %mul3A_179 = arith.constant 80 : i32
          %mul3A_180 = arith.muli %add3A_178, %mul3A_179 : i32
          %add3A_181 = arith.addi %mul3A_2, %mul3A_180 : i32
          %dma_start3A_182 = tpu.memref_slice %arg3[%add3A_181] : memref<320000xi32, #tpu.memory_space<hbm>> -> memref<80xi32, #tpu.memory_space<hbm>>
          %dma_start3A_183 = tpu.memref_slice %arg3[%add3A_181] : memref<320000xi32, #tpu.memory_space<hbm>> -> memref<80xi32, #tpu.memory_space<hbm>>
          tpu.enqueue_dma source(%dma_start3A_183 : memref<80xi32, #tpu.memory_space<hbm>>) target(%arg14 : memref<80xi32, #tpu.memory_space<vmem>>) target_semaphore(%arg26 : memref<!tpu.dma_semaphore, #tpu.memory_space<semaphore_mem>>)
        } else {
        }
        %dma_wait3A_127 = arith.constant 0 : i32
        %dma_wait3A_128 = arith.constant 0 : i32
        %dma_wait3A_129 = tpu.memref_slice %arg2[%dma_wait3A_127, %dma_wait3A_128] : memref<10000x128xf32, #tpu.memory_space<hbm>> -> memref<10000x128xf32, #tpu.memory_space<hbm>>
        tpu.wait_indirect_dma semaphore(%arg18 : memref<!tpu.dma_semaphore, #tpu.memory_space<semaphore_mem>>) src(%dma_wait3A_129 : memref<10000x128xf32, #tpu.memory_space<hbm>>) dst(%arg9 : memref<80x128xf32, #tpu.memory_space<vmem>>)
        %dma_wait3A_130 = arith.constant 0 : i32
        %dma_wait3A_131 = tpu.memref_slice %arg4[%dma_wait3A_130] : memref<320000xi32, #tpu.memory_space<hbm>> -> memref<80xi32, #tpu.memory_space<hbm>>
        %dma_wait3A_132 = arith.constant 0 : i32
        %dma_wait3A_133 = tpu.memref_slice %arg4[%dma_wait3A_132] : memref<320000xi32, #tpu.memory_space<hbm>> -> memref<80xi32, #tpu.memory_space<hbm>>
        tpu.wait_dma2 semaphore(%arg27 : memref<!tpu.dma_semaphore, #tpu.memory_space<semaphore_mem>>) src(%dma_wait3A_133 : memref<80xi32, #tpu.memory_space<hbm>>) dst(%arg15 : memref<80xi32, #tpu.memory_space<vmem>>)
        %dma_start3A_134 = arith.constant 0 : i32
        %dma_start3A_135 = arith.constant 0 : i32
        %dma_start3A_136 = tpu.memref_slice %arg7[%dma_start3A_134, %dma_start3A_135] : memref<10112x128xf32, #tpu.memory_space<vmem_shared>> -> memref<10112x128xf32, #tpu.memory_space<vmem_shared>>
        tpu.enqueue_indirect_dma source(%arg9 : memref<80x128xf32, #tpu.memory_space<vmem>>) target(%dma_start3A_136 : memref<10112x128xf32, #tpu.memory_space<vmem_shared>>) offsets(%arg15 : memref<80xi32, #tpu.memory_space<vmem>>) semaphore(%arg21 : memref<!tpu.dma_semaphore, #tpu.memory_space<semaphore_mem>>) {add = true}
        %add3A_137 = arith.constant 2 : i32
        %add3A_138 = arith.addi %add3A_99, %add3A_137 : i32
        %lt3A_139 = arith.constant 125 : i32
        %lt3A_140 = arith.cmpi slt, %add3A_138, %lt3A_139 : i32
        %convert_element_type3A_141 = arith.extui %lt3A_140 : i1 to i32
        %cond3A_142 = arith.constant 0 : i32
        %cond3A_143 = arith.cmpi ne, %convert_element_type3A_141, %cond3A_142 : i32
        scf.if %cond3A_143 {
          %ge3A = arith.constant 1 : i32
          %ge3A_177 = arith.cmpi sge, %add3A_99, %ge3A : i32
          %convert_element_type3A_178 = arith.extui %ge3A_177 : i1 to i32
          %cond3A_179 = arith.constant 0 : i32
          %cond3A_180 = arith.cmpi ne, %convert_element_type3A_178, %cond3A_179 : i32
          scf.if %cond3A_180 {
            %dma_wait3A_195 = arith.constant 0 : i32
            %dma_wait3A_196 = arith.constant 0 : i32
            %dma_wait3A_197 = tpu.memref_slice %arg7[%dma_wait3A_195, %dma_wait3A_196] : memref<10112x128xf32, #tpu.memory_space<vmem_shared>> -> memref<10112x128xf32, #tpu.memory_space<vmem_shared>>
            tpu.wait_indirect_dma semaphore(%arg23 : memref<!tpu.dma_semaphore, #tpu.memory_space<semaphore_mem>>) src(%arg11 : memref<80x128xf32, #tpu.memory_space<vmem>>) dst(%dma_wait3A_197 : memref<10112x128xf32, #tpu.memory_space<vmem_shared>>)
          } else {
          }
          %add3A_181 = arith.constant 2 : i32
          %add3A_182 = arith.addi %add3A_99, %add3A_181 : i32
          %mul3A_183 = arith.constant 80 : i32
          %mul3A_184 = arith.muli %add3A_182, %mul3A_183 : i32
          %add3A_185 = arith.addi %mul3A_2, %mul3A_184 : i32
          %dma_start3A_186 = tpu.memref_slice %arg4[%add3A_185] : memref<320000xi32, #tpu.memory_space<hbm>> -> memref<80xi32, #tpu.memory_space<hbm>>
          %dma_start3A_187 = tpu.memref_slice %arg4[%add3A_185] : memref<320000xi32, #tpu.memory_space<hbm>> -> memref<80xi32, #tpu.memory_space<hbm>>
          tpu.enqueue_dma source(%dma_start3A_187 : memref<80xi32, #tpu.memory_space<hbm>>) target(%arg17 : memref<80xi32, #tpu.memory_space<vmem>>) target_semaphore(%arg29 : memref<!tpu.dma_semaphore, #tpu.memory_space<semaphore_mem>>)
          %dma_wait3A_188 = arith.constant 0 : i32
          %dma_wait3A_189 = tpu.memref_slice %arg3[%dma_wait3A_188] : memref<320000xi32, #tpu.memory_space<hbm>> -> memref<80xi32, #tpu.memory_space<hbm>>
          %dma_wait3A_190 = arith.constant 0 : i32
          %dma_wait3A_191 = tpu.memref_slice %arg3[%dma_wait3A_190] : memref<320000xi32, #tpu.memory_space<hbm>> -> memref<80xi32, #tpu.memory_space<hbm>>
          tpu.wait_dma2 semaphore(%arg26 : memref<!tpu.dma_semaphore, #tpu.memory_space<semaphore_mem>>) src(%dma_wait3A_191 : memref<80xi32, #tpu.memory_space<hbm>>) dst(%arg14 : memref<80xi32, #tpu.memory_space<vmem>>)
          %dma_start3A_192 = arith.constant 0 : i32
          %dma_start3A_193 = arith.constant 0 : i32
          %dma_start3A_194 = tpu.memref_slice %arg2[%dma_start3A_192, %dma_start3A_193] : memref<10000x128xf32, #tpu.memory_space<hbm>> -> memref<10000x128xf32, #tpu.memory_space<hbm>>
          tpu.enqueue_indirect_dma source(%dma_start3A_194 : memref<10000x128xf32, #tpu.memory_space<hbm>>) target(%arg11 : memref<80x128xf32, #tpu.memory_space<vmem>>) offsets(%arg14 : memref<80xi32, #tpu.memory_space<vmem>>) semaphore(%arg20 : memref<!tpu.dma_semaphore, #tpu.memory_space<semaphore_mem>>)
        } else {
        }
        %get3A = arith.constant 0 : index
        %get3A_144 = tpu.vector_load %arg15[%get3A] {strides = array<i32>} : memref<80xi32, #tpu.memory_space<vmem>>, vector<16xi32>,
        %broadcast_in_dim3A_145 = arith.constant true
        %broadcast_in_dim3A_146 = vector.broadcast %broadcast_in_dim3A_145 : i1 to vector<16xi1>
        %unique3A, %unique3A_147 = tpu.scan_count mask(%broadcast_in_dim3A_146 : vector<16xi1>) value(%get3A_144 : vector<16xi32>) : vector<16xi1>, vector<16xi32>
        %convert_element_type3A_148 = arith.sitofp %unique3A_147 : vector<16xi32> to vector<16xf32>
        tpu.vector_store_idx %arg8[%get3A_144], %convert_element_type3A_148 masked %unique3A {add = true} : memref<10112xf32, #tpu.memory_space<vmem>>[vector<16xi32>], vector<16xf32>, vector<16xi1>
        %get3A_149 = arith.constant 16 : index
        %get3A_150 = tpu.vector_load %arg15[%get3A_149] {strides = array<i32>} : memref<80xi32, #tpu.memory_space<vmem>>, vector<16xi32>,
        %broadcast_in_dim3A_151 = arith.constant true
        %broadcast_in_dim3A_152 = vector.broadcast %broadcast_in_dim3A_151 : i1 to vector<16xi1>
        %unique3A_153, %unique3A_154 = tpu.scan_count mask(%broadcast_in_dim3A_152 : vector<16xi1>) value(%get3A_150 : vector<16xi32>) : vector<16xi1>, vector<16xi32>
        %convert_element_type3A_155 = arith.sitofp %unique3A_154 : vector<16xi32> to vector<16xf32>
        tpu.vector_store_idx %arg8[%get3A_150], %convert_element_type3A_155 masked %unique3A_153 {add = true} : memref<10112xf32, #tpu.memory_space<vmem>>[vector<16xi32>], vector<16xf32>, vector<16xi1>
        %get3A_156 = arith.constant 32 : index
        %get3A_157 = tpu.vector_load %arg15[%get3A_156] {strides = array<i32>} : memref<80xi32, #tpu.memory_space<vmem>>, vector<16xi32>,
        %broadcast_in_dim3A_158 = arith.constant true
        %broadcast_in_dim3A_159 = vector.broadcast %broadcast_in_dim3A_158 : i1 to vector<16xi1>
        %unique3A_160, %unique3A_161 = tpu.scan_count mask(%broadcast_in_dim3A_159 : vector<16xi1>) value(%get3A_157 : vector<16xi32>) : vector<16xi1>, vector<16xi32>
        %convert_element_type3A_162 = arith.sitofp %unique3A_161 : vector<16xi32> to vector<16xf32>
        tpu.vector_store_idx %arg8[%get3A_157], %convert_element_type3A_162 masked %unique3A_160 {add = true} : memref<10112xf32, #tpu.memory_space<vmem>>[vector<16xi32>], vector<16xf32>, vector<16xi1>
        %get3A_163 = arith.constant 48 : index
        %get3A_164 = tpu.vector_load %arg15[%get3A_163] {strides = array<i32>} : memref<80xi32, #tpu.memory_space<vmem>>, vector<16xi32>,
        %broadcast_in_dim3A_165 = arith.constant true
        %broadcast_in_dim3A_166 = vector.broadcast %broadcast_in_dim3A_165 : i1 to vector<16xi1>
        %unique3A_167, %unique3A_168 = tpu.scan_count mask(%broadcast_in_dim3A_166 : vector<16xi1>) value(%get3A_164 : vector<16xi32>) : vector<16xi1>, vector<16xi32>
        %convert_element_type3A_169 = arith.sitofp %unique3A_168 : vector<16xi32> to vector<16xf32>
        tpu.vector_store_idx %arg8[%get3A_164], %convert_element_type3A_169 masked %unique3A_167 {add = true} : memref<10112xf32, #tpu.memory_space<vmem>>[vector<16xi32>], vector<16xf32>, vector<16xi1>
        %get3A_170 = arith.constant 64 : index
        %get3A_171 = tpu.vector_load %arg15[%get3A_170] {strides = array<i32>} : memref<80xi32, #tpu.memory_space<vmem>>, vector<16xi32>,
        %broadcast_in_dim3A_172 = arith.constant true
        %broadcast_in_dim3A_173 = vector.broadcast %broadcast_in_dim3A_172 : i1 to vector<16xi1>
        %unique3A_174, %unique3A_175 = tpu.scan_count mask(%broadcast_in_dim3A_173 : vector<16xi1>) value(%get3A_171 : vector<16xi32>) : vector<16xi1>, vector<16xi32>
        %convert_element_type3A_176 = arith.sitofp %unique3A_175 : vector<16xi32> to vector<16xf32>
        tpu.vector_store_idx %arg8[%get3A_171], %convert_element_type3A_176 masked %unique3A_174 {add = true} : memref<10112xf32, #tpu.memory_space<vmem>>[vector<16xi32>], vector<16xf32>, vector<16xi1>
      } else {
      }
      %mul3A_102 = arith.constant 3 : i32
      %mul3A_103 = arith.muli %mul3A_102, %scan3A_95 : i32
      %add3A_104 = arith.constant 1 : i32
      %add3A_105 = arith.addi %mul3A_103, %add3A_104 : i32
      %lt3A_106 = arith.constant 125 : i32
      %lt3A_107 = arith.cmpi slt, %add3A_105, %lt3A_106 : i32
      %convert_element_type3A_108 = arith.extui %lt3A_107 : i1 to i32
      %cond3A_109 = arith.constant 0 : i32
      %cond3A_110 = arith.cmpi ne, %convert_element_type3A_108, %cond3A_109 : i32
      scf.if %cond3A_110 {
        %add3A_120 = arith.constant 2 : i32
        %add3A_121 = arith.addi %add3A_105, %add3A_120 : i32
        %lt3A_122 = arith.constant 125 : i32
        %lt3A_123 = arith.cmpi slt, %add3A_121, %lt3A_122 : i32
        %convert_element_type3A_124 = arith.extui %lt3A_123 : i1 to i32
        %cond3A_125 = arith.constant 0 : i32
        %cond3A_126 = arith.cmpi ne, %convert_element_type3A_124, %cond3A_125 : i32
        scf.if %cond3A_126 {
          %add3A_177 = arith.constant 2 : i32
          %add3A_178 = arith.addi %add3A_105, %add3A_177 : i32
          %mul3A_179 = arith.constant 80 : i32
          %mul3A_180 = arith.muli %add3A_178, %mul3A_179 : i32
          %add3A_181 = arith.addi %mul3A_2, %mul3A_180 : i32
          %dma_start3A_182 = tpu.memref_slice %arg3[%add3A_181] : memref<320000xi32, #tpu.memory_space<hbm>> -> memref<80xi32, #tpu.memory_space<hbm>>
          %dma_start3A_183 = tpu.memref_slice %arg3[%add3A_181] : memref<320000xi32, #tpu.memory_space<hbm>> -> memref<80xi32, #tpu.memory_space<hbm>>
          tpu.enqueue_dma source(%dma_start3A_183 : memref<80xi32, #tpu.memory_space<hbm>>) target(%arg12 : memref<80xi32, #tpu.memory_space<vmem>>) target_semaphore(%arg24 : memref<!tpu.dma_semaphore, #tpu.memory_space<semaphore_mem>>)
        } else {
        }
        %dma_wait3A_127 = arith.constant 0 : i32
        %dma_wait3A_128 = arith.constant 0 : i32
        %dma_wait3A_129 = tpu.memref_slice %arg2[%dma_wait3A_127, %dma_wait3A_128] : memref<10000x128xf32, #tpu.memory_space<hbm>> -> memref<10000x128xf32, #tpu.memory_space<hbm>>
        tpu.wait_indirect_dma semaphore(%arg19 : memref<!tpu.dma_semaphore, #tpu.memory_space<semaphore_mem>>) src(%dma_wait3A_129 : memref<10000x128xf32, #tpu.memory_space<hbm>>) dst(%arg10 : memref<80x128xf32, #tpu.memory_space<vmem>>)
        %dma_wait3A_130 = arith.constant 0 : i32
        %dma_wait3A_131 = tpu.memref_slice %arg4[%dma_wait3A_130] : memref<320000xi32, #tpu.memory_space<hbm>> -> memref<80xi32, #tpu.memory_space<hbm>>
        %dma_wait3A_132 = arith.constant 0 : i32
        %dma_wait3A_133 = tpu.memref_slice %arg4[%dma_wait3A_132] : memref<320000xi32, #tpu.memory_space<hbm>> -> memref<80xi32, #tpu.memory_space<hbm>>
        tpu.wait_dma2 semaphore(%arg28 : memref<!tpu.dma_semaphore, #tpu.memory_space<semaphore_mem>>) src(%dma_wait3A_133 : memref<80xi32, #tpu.memory_space<hbm>>) dst(%arg16 : memref<80xi32, #tpu.memory_space<vmem>>)
        %dma_start3A_134 = arith.constant 0 : i32
        %dma_start3A_135 = arith.constant 0 : i32
        %dma_start3A_136 = tpu.memref_slice %arg7[%dma_start3A_134, %dma_start3A_135] : memref<10112x128xf32, #tpu.memory_space<vmem_shared>> -> memref<10112x128xf32, #tpu.memory_space<vmem_shared>>
        tpu.enqueue_indirect_dma source(%arg10 : memref<80x128xf32, #tpu.memory_space<vmem>>) target(%dma_start3A_136 : memref<10112x128xf32, #tpu.memory_space<vmem_shared>>) offsets(%arg16 : memref<80xi32, #tpu.memory_space<vmem>>) semaphore(%arg22 : memref<!tpu.dma_semaphore, #tpu.memory_space<semaphore_mem>>) {add = true}
        %add3A_137 = arith.constant 2 : i32
        %add3A_138 = arith.addi %add3A_105, %add3A_137 : i32
        %lt3A_139 = arith.constant 125 : i32
        %lt3A_140 = arith.cmpi slt, %add3A_138, %lt3A_139 : i32
        %convert_element_type3A_141 = arith.extui %lt3A_140 : i1 to i32
        %cond3A_142 = arith.constant 0 : i32
        %cond3A_143 = arith.cmpi ne, %convert_element_type3A_141, %cond3A_142 : i32
        scf.if %cond3A_143 {
          %ge3A = arith.constant 1 : i32
          %ge3A_177 = arith.cmpi sge, %add3A_105, %ge3A : i32
          %convert_element_type3A_178 = arith.extui %ge3A_177 : i1 to i32
          %cond3A_179 = arith.constant 0 : i32
          %cond3A_180 = arith.cmpi ne, %convert_element_type3A_178, %cond3A_179 : i32
          scf.if %cond3A_180 {
            %dma_wait3A_195 = arith.constant 0 : i32
            %dma_wait3A_196 = arith.constant 0 : i32
            %dma_wait3A_197 = tpu.memref_slice %arg7[%dma_wait3A_195, %dma_wait3A_196] : memref<10112x128xf32, #tpu.memory_space<vmem_shared>> -> memref<10112x128xf32, #tpu.memory_space<vmem_shared>>
            tpu.wait_indirect_dma semaphore(%arg21 : memref<!tpu.dma_semaphore, #tpu.memory_space<semaphore_mem>>) src(%arg9 : memref<80x128xf32, #tpu.memory_space<vmem>>) dst(%dma_wait3A_197 : memref<10112x128xf32, #tpu.memory_space<vmem_shared>>)
          } else {
          }
          %add3A_181 = arith.constant 2 : i32
          %add3A_182 = arith.addi %add3A_105, %add3A_181 : i32
          %mul3A_183 = arith.constant 80 : i32
          %mul3A_184 = arith.muli %add3A_182, %mul3A_183 : i32
          %add3A_185 = arith.addi %mul3A_2, %mul3A_184 : i32
          %dma_start3A_186 = tpu.memref_slice %arg4[%add3A_185] : memref<320000xi32, #tpu.memory_space<hbm>> -> memref<80xi32, #tpu.memory_space<hbm>>
          %dma_start3A_187 = tpu.memref_slice %arg4[%add3A_185] : memref<320000xi32, #tpu.memory_space<hbm>> -> memref<80xi32, #tpu.memory_space<hbm>>
          tpu.enqueue_dma source(%dma_start3A_187 : memref<80xi32, #tpu.memory_space<hbm>>) target(%arg15 : memref<80xi32, #tpu.memory_space<vmem>>) target_semaphore(%arg27 : memref<!tpu.dma_semaphore, #tpu.memory_space<semaphore_mem>>)
          %dma_wait3A_188 = arith.constant 0 : i32
          %dma_wait3A_189 = tpu.memref_slice %arg3[%dma_wait3A_188] : memref<320000xi32, #tpu.memory_space<hbm>> -> memref<80xi32, #tpu.memory_space<hbm>>
          %dma_wait3A_190 = arith.constant 0 : i32
          %dma_wait3A_191 = tpu.memref_slice %arg3[%dma_wait3A_190] : memref<320000xi32, #tpu.memory_space<hbm>> -> memref<80xi32, #tpu.memory_space<hbm>>
          tpu.wait_dma2 semaphore(%arg24 : memref<!tpu.dma_semaphore, #tpu.memory_space<semaphore_mem>>) src(%dma_wait3A_191 : memref<80xi32, #tpu.memory_space<hbm>>) dst(%arg12 : memref<80xi32, #tpu.memory_space<vmem>>)
          %dma_start3A_192 = arith.constant 0 : i32
          %dma_start3A_193 = arith.constant 0 : i32
          %dma_start3A_194 = tpu.memref_slice %arg2[%dma_start3A_192, %dma_start3A_193] : memref<10000x128xf32, #tpu.memory_space<hbm>> -> memref<10000x128xf32, #tpu.memory_space<hbm>>
          tpu.enqueue_indirect_dma source(%dma_start3A_194 : memref<10000x128xf32, #tpu.memory_space<hbm>>) target(%arg9 : memref<80x128xf32, #tpu.memory_space<vmem>>) offsets(%arg12 : memref<80xi32, #tpu.memory_space<vmem>>) semaphore(%arg18 : memref<!tpu.dma_semaphore, #tpu.memory_space<semaphore_mem>>)
        } else {
        }
        %get3A = arith.constant 0 : index
        %get3A_144 = tpu.vector_load %arg16[%get3A] {strides = array<i32>} : memref<80xi32, #tpu.memory_space<vmem>>, vector<16xi32>,
        %broadcast_in_dim3A_145 = arith.constant true
        %broadcast_in_dim3A_146 = vector.broadcast %broadcast_in_dim3A_145 : i1 to vector<16xi1>
        %unique3A, %unique3A_147 = tpu.scan_count mask(%broadcast_in_dim3A_146 : vector<16xi1>) value(%get3A_144 : vector<16xi32>) : vector<16xi1>, vector<16xi32>
        %convert_element_type3A_148 = arith.sitofp %unique3A_147 : vector<16xi32> to vector<16xf32>
        tpu.vector_store_idx %arg8[%get3A_144], %convert_element_type3A_148 masked %unique3A {add = true} : memref<10112xf32, #tpu.memory_space<vmem>>[vector<16xi32>], vector<16xf32>, vector<16xi1>
        %get3A_149 = arith.constant 16 : index
        %get3A_150 = tpu.vector_load %arg16[%get3A_149] {strides = array<i32>} : memref<80xi32, #tpu.memory_space<vmem>>, vector<16xi32>,
        %broadcast_in_dim3A_151 = arith.constant true
        %broadcast_in_dim3A_152 = vector.broadcast %broadcast_in_dim3A_151 : i1 to vector<16xi1>
        %unique3A_153, %unique3A_154 = tpu.scan_count mask(%broadcast_in_dim3A_152 : vector<16xi1>) value(%get3A_150 : vector<16xi32>) : vector<16xi1>, vector<16xi32>
        %convert_element_type3A_155 = arith.sitofp %unique3A_154 : vector<16xi32> to vector<16xf32>
        tpu.vector_store_idx %arg8[%get3A_150], %convert_element_type3A_155 masked %unique3A_153 {add = true} : memref<10112xf32, #tpu.memory_space<vmem>>[vector<16xi32>], vector<16xf32>, vector<16xi1>
        %get3A_156 = arith.constant 32 : index
        %get3A_157 = tpu.vector_load %arg16[%get3A_156] {strides = array<i32>} : memref<80xi32, #tpu.memory_space<vmem>>, vector<16xi32>,
        %broadcast_in_dim3A_158 = arith.constant true
        %broadcast_in_dim3A_159 = vector.broadcast %broadcast_in_dim3A_158 : i1 to vector<16xi1>
        %unique3A_160, %unique3A_161 = tpu.scan_count mask(%broadcast_in_dim3A_159 : vector<16xi1>) value(%get3A_157 : vector<16xi32>) : vector<16xi1>, vector<16xi32>
        %convert_element_type3A_162 = arith.sitofp %unique3A_161 : vector<16xi32> to vector<16xf32>
        tpu.vector_store_idx %arg8[%get3A_157], %convert_element_type3A_162 masked %unique3A_160 {add = true} : memref<10112xf32, #tpu.memory_space<vmem>>[vector<16xi32>], vector<16xf32>, vector<16xi1>
        %get3A_163 = arith.constant 48 : index
        %get3A_164 = tpu.vector_load %arg16[%get3A_163] {strides = array<i32>} : memref<80xi32, #tpu.memory_space<vmem>>, vector<16xi32>,
        %broadcast_in_dim3A_165 = arith.constant true
        %broadcast_in_dim3A_166 = vector.broadcast %broadcast_in_dim3A_165 : i1 to vector<16xi1>
        %unique3A_167, %unique3A_168 = tpu.scan_count mask(%broadcast_in_dim3A_166 : vector<16xi1>) value(%get3A_164 : vector<16xi32>) : vector<16xi1>, vector<16xi32>
        %convert_element_type3A_169 = arith.sitofp %unique3A_168 : vector<16xi32> to vector<16xf32>
        tpu.vector_store_idx %arg8[%get3A_164], %convert_element_type3A_169 masked %unique3A_167 {add = true} : memref<10112xf32, #tpu.memory_space<vmem>>[vector<16xi32>], vector<16xf32>, vector<16xi1>
        %get3A_170 = arith.constant 64 : index
        %get3A_171 = tpu.vector_load %arg16[%get3A_170] {strides = array<i32>} : memref<80xi32, #tpu.memory_space<vmem>>, vector<16xi32>,
        %broadcast_in_dim3A_172 = arith.constant true
        %broadcast_in_dim3A_173 = vector.broadcast %broadcast_in_dim3A_172 : i1 to vector<16xi1>
        %unique3A_174, %unique3A_175 = tpu.scan_count mask(%broadcast_in_dim3A_173 : vector<16xi1>) value(%get3A_171 : vector<16xi32>) : vector<16xi1>, vector<16xi32>
        %convert_element_type3A_176 = arith.sitofp %unique3A_175 : vector<16xi32> to vector<16xf32>
        tpu.vector_store_idx %arg8[%get3A_171], %convert_element_type3A_176 masked %unique3A_174 {add = true} : memref<10112xf32, #tpu.memory_space<vmem>>[vector<16xi32>], vector<16xf32>, vector<16xi1>
      } else {
      }
      %mul3A_111 = arith.constant 3 : i32
      %mul3A_112 = arith.muli %mul3A_111, %scan3A_95 : i32
      %add3A_113 = arith.constant 2 : i32
      %add3A_114 = arith.addi %mul3A_112, %add3A_113 : i32
      %lt3A_115 = arith.constant 125 : i32
      %lt3A_116 = arith.cmpi slt, %add3A_114, %lt3A_115 : i32
      %convert_element_type3A_117 = arith.extui %lt3A_116 : i1 to i32
      %cond3A_118 = arith.constant 0 : i32
      %cond3A_119 = arith.cmpi ne, %convert_element_type3A_117, %cond3A_118 : i32
      scf.if %cond3A_119 {
        %add3A_120 = arith.constant 2 : i32
        %add3A_121 = arith.addi %add3A_114, %add3A_120 : i32
        %lt3A_122 = arith.constant 125 : i32
        %lt3A_123 = arith.cmpi slt, %add3A_121, %lt3A_122 : i32
        %convert_element_type3A_124 = arith.extui %lt3A_123 : i1 to i32
        %cond3A_125 = arith.constant 0 : i32
        %cond3A_126 = arith.cmpi ne, %convert_element_type3A_124, %cond3A_125 : i32
        scf.if %cond3A_126 {
          %add3A_177 = arith.constant 2 : i32
          %add3A_178 = arith.addi %add3A_114, %add3A_177 : i32
          %mul3A_179 = arith.constant 80 : i32
          %mul3A_180 = arith.muli %add3A_178, %mul3A_179 : i32
          %add3A_181 = arith.addi %mul3A_2, %mul3A_180 : i32
          %dma_start3A_182 = tpu.memref_slice %arg3[%add3A_181] : memref<320000xi32, #tpu.memory_space<hbm>> -> memref<80xi32, #tpu.memory_space<hbm>>
          %dma_start3A_183 = tpu.memref_slice %arg3[%add3A_181] : memref<320000xi32, #tpu.memory_space<hbm>> -> memref<80xi32, #tpu.memory_space<hbm>>
          tpu.enqueue_dma source(%dma_start3A_183 : memref<80xi32, #tpu.memory_space<hbm>>) target(%arg13 : memref<80xi32, #tpu.memory_space<vmem>>) target_semaphore(%arg25 : memref<!tpu.dma_semaphore, #tpu.memory_space<semaphore_mem>>)
        } else {
        }
        %dma_wait3A_127 = arith.constant 0 : i32
        %dma_wait3A_128 = arith.constant 0 : i32
        %dma_wait3A_129 = tpu.memref_slice %arg2[%dma_wait3A_127, %dma_wait3A_128] : memref<10000x128xf32, #tpu.memory_space<hbm>> -> memref<10000x128xf32, #tpu.memory_space<hbm>>
        tpu.wait_indirect_dma semaphore(%arg20 : memref<!tpu.dma_semaphore, #tpu.memory_space<semaphore_mem>>) src(%dma_wait3A_129 : memref<10000x128xf32, #tpu.memory_space<hbm>>) dst(%arg11 : memref<80x128xf32, #tpu.memory_space<vmem>>)
        %dma_wait3A_130 = arith.constant 0 : i32
        %dma_wait3A_131 = tpu.memref_slice %arg4[%dma_wait3A_130] : memref<320000xi32, #tpu.memory_space<hbm>> -> memref<80xi32, #tpu.memory_space<hbm>>
        %dma_wait3A_132 = arith.constant 0 : i32
        %dma_wait3A_133 = tpu.memref_slice %arg4[%dma_wait3A_132] : memref<320000xi32, #tpu.memory_space<hbm>> -> memref<80xi32, #tpu.memory_space<hbm>>
        tpu.wait_dma2 semaphore(%arg29 : memref<!tpu.dma_semaphore, #tpu.memory_space<semaphore_mem>>) src(%dma_wait3A_133 : memref<80xi32, #tpu.memory_space<hbm>>) dst(%arg17 : memref<80xi32, #tpu.memory_space<vmem>>)
        %dma_start3A_134 = arith.constant 0 : i32
        %dma_start3A_135 = arith.constant 0 : i32
        %dma_start3A_136 = tpu.memref_slice %arg7[%dma_start3A_134, %dma_start3A_135] : memref<10112x128xf32, #tpu.memory_space<vmem_shared>> -> memref<10112x128xf32, #tpu.memory_space<vmem_shared>>
        tpu.enqueue_indirect_dma source(%arg11 : memref<80x128xf32, #tpu.memory_space<vmem>>) target(%dma_start3A_136 : memref<10112x128xf32, #tpu.memory_space<vmem_shared>>) offsets(%arg17 : memref<80xi32, #tpu.memory_space<vmem>>) semaphore(%arg23 : memref<!tpu.dma_semaphore, #tpu.memory_space<semaphore_mem>>) {add = true}
        %add3A_137 = arith.constant 2 : i32
        %add3A_138 = arith.addi %add3A_114, %add3A_137 : i32
        %lt3A_139 = arith.constant 125 : i32
        %lt3A_140 = arith.cmpi slt, %add3A_138, %lt3A_139 : i32
        %convert_element_type3A_141 = arith.extui %lt3A_140 : i1 to i32
        %cond3A_142 = arith.constant 0 : i32
        %cond3A_143 = arith.cmpi ne, %convert_element_type3A_141, %cond3A_142 : i32
        scf.if %cond3A_143 {
          %ge3A = arith.constant 1 : i32
          %ge3A_177 = arith.cmpi sge, %add3A_114, %ge3A : i32
          %convert_element_type3A_178 = arith.extui %ge3A_177 : i1 to i32
          %cond3A_179 = arith.constant 0 : i32
          %cond3A_180 = arith.cmpi ne, %convert_element_type3A_178, %cond3A_179 : i32
          scf.if %cond3A_180 {
            %dma_wait3A_195 = arith.constant 0 : i32
            %dma_wait3A_196 = arith.constant 0 : i32
            %dma_wait3A_197 = tpu.memref_slice %arg7[%dma_wait3A_195, %dma_wait3A_196] : memref<10112x128xf32, #tpu.memory_space<vmem_shared>> -> memref<10112x128xf32, #tpu.memory_space<vmem_shared>>
            tpu.wait_indirect_dma semaphore(%arg22 : memref<!tpu.dma_semaphore, #tpu.memory_space<semaphore_mem>>) src(%arg10 : memref<80x128xf32, #tpu.memory_space<vmem>>) dst(%dma_wait3A_197 : memref<10112x128xf32, #tpu.memory_space<vmem_shared>>)
          } else {
          }
          %add3A_181 = arith.constant 2 : i32
          %add3A_182 = arith.addi %add3A_114, %add3A_181 : i32
          %mul3A_183 = arith.constant 80 : i32
          %mul3A_184 = arith.muli %add3A_182, %mul3A_183 : i32
          %add3A_185 = arith.addi %mul3A_2, %mul3A_184 : i32
          %dma_start3A_186 = tpu.memref_slice %arg4[%add3A_185] : memref<320000xi32, #tpu.memory_space<hbm>> -> memref<80xi32, #tpu.memory_space<hbm>>
          %dma_start3A_187 = tpu.memref_slice %arg4[%add3A_185] : memref<320000xi32, #tpu.memory_space<hbm>> -> memref<80xi32, #tpu.memory_space<hbm>>
          tpu.enqueue_dma source(%dma_start3A_187 : memref<80xi32, #tpu.memory_space<hbm>>) target(%arg16 : memref<80xi32, #tpu.memory_space<vmem>>) target_semaphore(%arg28 : memref<!tpu.dma_semaphore, #tpu.memory_space<semaphore_mem>>)
          %dma_wait3A_188 = arith.constant 0 : i32
          %dma_wait3A_189 = tpu.memref_slice %arg3[%dma_wait3A_188] : memref<320000xi32, #tpu.memory_space<hbm>> -> memref<80xi32, #tpu.memory_space<hbm>>
          %dma_wait3A_190 = arith.constant 0 : i32
          %dma_wait3A_191 = tpu.memref_slice %arg3[%dma_wait3A_190] : memref<320000xi32, #tpu.memory_space<hbm>> -> memref<80xi32, #tpu.memory_space<hbm>>
          tpu.wait_dma2 semaphore(%arg25 : memref<!tpu.dma_semaphore, #tpu.memory_space<semaphore_mem>>) src(%dma_wait3A_191 : memref<80xi32, #tpu.memory_space<hbm>>) dst(%arg13 : memref<80xi32, #tpu.memory_space<vmem>>)
          %dma_start3A_192 = arith.constant 0 : i32
          %dma_start3A_193 = arith.constant 0 : i32
          %dma_start3A_194 = tpu.memref_slice %arg2[%dma_start3A_192, %dma_start3A_193] : memref<10000x128xf32, #tpu.memory_space<hbm>> -> memref<10000x128xf32, #tpu.memory_space<hbm>>
          tpu.enqueue_indirect_dma source(%dma_start3A_194 : memref<10000x128xf32, #tpu.memory_space<hbm>>) target(%arg10 : memref<80x128xf32, #tpu.memory_space<vmem>>) offsets(%arg13 : memref<80xi32, #tpu.memory_space<vmem>>) semaphore(%arg19 : memref<!tpu.dma_semaphore, #tpu.memory_space<semaphore_mem>>)
        } else {
        }
        %get3A = arith.constant 0 : index
        %get3A_144 = tpu.vector_load %arg17[%get3A] {strides = array<i32>} : memref<80xi32, #tpu.memory_space<vmem>>, vector<16xi32>,
        %broadcast_in_dim3A_145 = arith.constant true
        %broadcast_in_dim3A_146 = vector.broadcast %broadcast_in_dim3A_145 : i1 to vector<16xi1>
        %unique3A, %unique3A_147 = tpu.scan_count mask(%broadcast_in_dim3A_146 : vector<16xi1>) value(%get3A_144 : vector<16xi32>) : vector<16xi1>, vector<16xi32>
        %convert_element_type3A_148 = arith.sitofp %unique3A_147 : vector<16xi32> to vector<16xf32>
        tpu.vector_store_idx %arg8[%get3A_144], %convert_element_type3A_148 masked %unique3A {add = true} : memref<10112xf32, #tpu.memory_space<vmem>>[vector<16xi32>], vector<16xf32>, vector<16xi1>
        %get3A_149 = arith.constant 16 : index
        %get3A_150 = tpu.vector_load %arg17[%get3A_149] {strides = array<i32>} : memref<80xi32, #tpu.memory_space<vmem>>, vector<16xi32>,
        %broadcast_in_dim3A_151 = arith.constant true
        %broadcast_in_dim3A_152 = vector.broadcast %broadcast_in_dim3A_151 : i1 to vector<16xi1>
        %unique3A_153, %unique3A_154 = tpu.scan_count mask(%broadcast_in_dim3A_152 : vector<16xi1>) value(%get3A_150 : vector<16xi32>) : vector<16xi1>, vector<16xi32>
        %convert_element_type3A_155 = arith.sitofp %unique3A_154 : vector<16xi32> to vector<16xf32>
        tpu.vector_store_idx %arg8[%get3A_150], %convert_element_type3A_155 masked %unique3A_153 {add = true} : memref<10112xf32, #tpu.memory_space<vmem>>[vector<16xi32>], vector<16xf32>, vector<16xi1>
        %get3A_156 = arith.constant 32 : index
        %get3A_157 = tpu.vector_load %arg17[%get3A_156] {strides = array<i32>} : memref<80xi32, #tpu.memory_space<vmem>>, vector<16xi32>,
        %broadcast_in_dim3A_158 = arith.constant true
        %broadcast_in_dim3A_159 = vector.broadcast %broadcast_in_dim3A_158 : i1 to vector<16xi1>
        %unique3A_160, %unique3A_161 = tpu.scan_count mask(%broadcast_in_dim3A_159 : vector<16xi1>) value(%get3A_157 : vector<16xi32>) : vector<16xi1>, vector<16xi32>
        %convert_element_type3A_162 = arith.sitofp %unique3A_161 : vector<16xi32> to vector<16xf32>
        tpu.vector_store_idx %arg8[%get3A_157], %convert_element_type3A_162 masked %unique3A_160 {add = true} : memref<10112xf32, #tpu.memory_space<vmem>>[vector<16xi32>], vector<16xf32>, vector<16xi1>
        %get3A_163 = arith.constant 48 : index
        %get3A_164 = tpu.vector_load %arg17[%get3A_163] {strides = array<i32>} : memref<80xi32, #tpu.memory_space<vmem>>, vector<16xi32>,
        %broadcast_in_dim3A_165 = arith.constant true
        %broadcast_in_dim3A_166 = vector.broadcast %broadcast_in_dim3A_165 : i1 to vector<16xi1>
        %unique3A_167, %unique3A_168 = tpu.scan_count mask(%broadcast_in_dim3A_166 : vector<16xi1>) value(%get3A_164 : vector<16xi32>) : vector<16xi1>, vector<16xi32>
        %convert_element_type3A_169 = arith.sitofp %unique3A_168 : vector<16xi32> to vector<16xf32>
        tpu.vector_store_idx %arg8[%get3A_164], %convert_element_type3A_169 masked %unique3A_167 {add = true} : memref<10112xf32, #tpu.memory_space<vmem>>[vector<16xi32>], vector<16xf32>, vector<16xi1>
        %get3A_170 = arith.constant 64 : index
        %get3A_171 = tpu.vector_load %arg17[%get3A_170] {strides = array<i32>} : memref<80xi32, #tpu.memory_space<vmem>>, vector<16xi32>,
        %broadcast_in_dim3A_172 = arith.constant true
        %broadcast_in_dim3A_173 = vector.broadcast %broadcast_in_dim3A_172 : i1 to vector<16xi1>
        %unique3A_174, %unique3A_175 = tpu.scan_count mask(%broadcast_in_dim3A_173 : vector<16xi1>) value(%get3A_171 : vector<16xi32>) : vector<16xi1>, vector<16xi32>
        %convert_element_type3A_176 = arith.sitofp %unique3A_175 : vector<16xi32> to vector<16xf32>
        tpu.vector_store_idx %arg8[%get3A_171], %convert_element_type3A_176 masked %unique3A_174 {add = true} : memref<10112xf32, #tpu.memory_space<vmem>>[vector<16xi32>], vector<16xf32>, vector<16xi1>
      } else {
      }
    }
    %scan3A_80 = arith.constant 42 : i32
    %dma_wait3A_81 = arith.constant 0 : i32
    %dma_wait3A_82 = arith.constant 0 : i32
    %dma_wait3A_83 = tpu.memref_slice %arg7[%dma_wait3A_81, %dma_wait3A_82] : memref<10112x128xf32, #tpu.memory_space<vmem_shared>> -> memref<10112x128xf32, #tpu.memory_space<vmem_shared>>
    tpu.wait_indirect_dma semaphore(%arg21 : memref<!tpu.dma_semaphore, #tpu.memory_space<semaphore_mem>>) src(%arg9 : memref<80x128xf32, #tpu.memory_space<vmem>>) dst(%dma_wait3A_83 : memref<10112x128xf32, #tpu.memory_space<vmem_shared>>)
    %dma_wait3A_84 = arith.constant 0 : i32
    %dma_wait3A_85 = arith.constant 0 : i32
    %dma_wait3A_86 = tpu.memref_slice %arg7[%dma_wait3A_84, %dma_wait3A_85] : memref<10112x128xf32, #tpu.memory_space<vmem_shared>> -> memref<10112x128xf32, #tpu.memory_space<vmem_shared>>
    tpu.wait_indirect_dma semaphore(%arg22 : memref<!tpu.dma_semaphore, #tpu.memory_space<semaphore_mem>>) src(%arg10 : memref<80x128xf32, #tpu.memory_space<vmem>>) dst(%dma_wait3A_86 : memref<10112x128xf32, #tpu.memory_space<vmem_shared>>)
    %dma_wait3A_87 = arith.constant 0 : i32
    %dma_wait3A_88 = arith.constant 0 : i32
    %dma_wait3A_89 = tpu.memref_slice %arg7[%dma_wait3A_87, %dma_wait3A_88] : memref<10112x128xf32, #tpu.memory_space<vmem_shared>> -> memref<10112x128xf32, #tpu.memory_space<vmem_shared>>
    tpu.wait_indirect_dma semaphore(%arg23 : memref<!tpu.dma_semaphore, #tpu.memory_space<semaphore_mem>>) src(%arg11 : memref<80x128xf32, #tpu.memory_space<vmem>>) dst(%dma_wait3A_89 : memref<10112x128xf32, #tpu.memory_space<vmem_shared>>)
    %barrier3A_90 = arith.constant 0 : index
    tpu.barrier barrier_id(%barrier3A_90)
    %mul3A_91 = arith.constant 632 : i32
    %mul3A_92 = arith.muli %arg1, %mul3A_91 : i32
    %mul3A_93 = arith.constant 632 : i32
    %mul3A_94 = arith.muli %arg1, %mul3A_93 : i32
    "tpu.region"() ({
      %run_scoped3A = tpu.sem_alloc : memref<!tpu.dma_semaphore, #tpu.memory_space<semaphore_mem>>
      %dma_start3A_95 = arith.constant 0 : i32
      %dma_start3A_96 = tpu.memref_slice %arg5[%arg0, %mul3A_94, %dma_start3A_95] : memref<2x10112x128xf32, #tpu.memory_space<hbm>> -> memref<1x632x128xf32, #tpu.memory_space<hbm>>
      %dma_start3A_97 = tpu.memref_squeeze %dma_start3A_96 : memref<1x632x128xf32, #tpu.memory_space<hbm>> -> memref<632x128xf32, #tpu.memory_space<hbm>>
      %dma_start3A_98 = arith.constant 0 : i32
      %dma_start3A_99 = tpu.memref_slice %arg7[%mul3A_92, %dma_start3A_98] : memref<10112x128xf32, #tpu.memory_space<vmem_shared>> -> memref<632x128xf32, #tpu.memory_space<vmem_shared>>
      tpu.enqueue_dma source(%dma_start3A_99 : memref<632x128xf32, #tpu.memory_space<vmem_shared>>) target(%dma_start3A_97 : memref<632x128xf32, #tpu.memory_space<hbm>>) target_semaphore(%run_scoped3A : memref<!tpu.dma_semaphore, #tpu.memory_space<semaphore_mem>>)
      %dma_wait3A_100 = arith.constant 0 : i32
      %dma_wait3A_101 = tpu.memref_slice %arg5[%arg0, %mul3A_94, %dma_wait3A_100] : memref<2x10112x128xf32, #tpu.memory_space<hbm>> -> memref<1x632x128xf32, #tpu.memory_space<hbm>>
      %dma_wait3A_102 = tpu.memref_squeeze %dma_wait3A_101 : memref<1x632x128xf32, #tpu.memory_space<hbm>> -> memref<632x128xf32, #tpu.memory_space<hbm>>
      %dma_wait3A_103 = arith.constant 0 : i32
      %dma_wait3A_104 = tpu.memref_slice %arg7[%mul3A_92, %dma_wait3A_103] : memref<10112x128xf32, #tpu.memory_space<vmem_shared>> -> memref<632x128xf32, #tpu.memory_space<vmem_shared>>
      tpu.wait_dma2 semaphore(%run_scoped3A : memref<!tpu.dma_semaphore, #tpu.memory_space<semaphore_mem>>) src(%dma_wait3A_104 : memref<632x128xf32, #tpu.memory_space<vmem_shared>>) dst(%dma_wait3A_102 : memref<632x128xf32, #tpu.memory_space<hbm>>)
      tpu.yield
    }) : () -> ()
    "tpu.region"() ({
      %run_scoped3A = tpu.sem_alloc : memref<!tpu.dma_semaphore, #tpu.memory_space<semaphore_mem>>
      %dma_start3A_95 = arith.constant 0 : i32
      %dma_start3A_96 = tpu.memref_slice %arg6[%arg0, %arg1, %dma_start3A_95] : memref<2x16x10112xf32, #tpu.memory_space<hbm>> -> memref<1x1x10112xf32, #tpu.memory_space<hbm>>
      %dma_start3A_97 = tpu.memref_squeeze %dma_start3A_96 : memref<1x1x10112xf32, #tpu.memory_space<hbm>> -> memref<10112xf32, #tpu.memory_space<hbm>>
      %dma_start3A_98 = arith.constant 0 : i32
      %dma_start3A_99 = tpu.memref_slice %arg6[%arg0, %arg1, %dma_start3A_98] : memref<2x16x10112xf32, #tpu.memory_space<hbm>> -> memref<1x1x10112xf32, #tpu.memory_space<hbm>>
      %dma_start3A_100 = tpu.memref_squeeze %dma_start3A_99 : memref<1x1x10112xf32, #tpu.memory_space<hbm>> -> memref<10112xf32, #tpu.memory_space<hbm>>
      tpu.enqueue_dma source(%arg8 : memref<10112xf32, #tpu.memory_space<vmem>>) target(%dma_start3A_100 : memref<10112xf32, #tpu.memory_space<hbm>>) target_semaphore(%run_scoped3A : memref<!tpu.dma_semaphore, #tpu.memory_space<semaphore_mem>>)
      %dma_wait3A_101 = arith.constant 0 : i32
      %dma_wait3A_102 = tpu.memref_slice %arg6[%arg0, %arg1, %dma_wait3A_101] : memref<2x16x10112xf32, #tpu.memory_space<hbm>> -> memref<1x1x10112xf32, #tpu.memory_space<hbm>>
      %dma_wait3A_103 = tpu.memref_squeeze %dma_wait3A_102 : memref<1x1x10112xf32, #tpu.memory_space<hbm>> -> memref<10112xf32, #tpu.memory_space<hbm>>
      %dma_wait3A_104 = arith.constant 0 : i32
      %dma_wait3A_105 = tpu.memref_slice %arg6[%arg0, %arg1, %dma_wait3A_104] : memref<2x16x10112xf32, #tpu.memory_space<hbm>> -> memref<1x1x10112xf32, #tpu.memory_space<hbm>>
      %dma_wait3A_106 = tpu.memref_squeeze %dma_wait3A_105 : memref<1x1x10112xf32, #tpu.memory_space<hbm>> -> memref<10112xf32, #tpu.memory_space<hbm>>
      tpu.wait_dma2 semaphore(%run_scoped3A : memref<!tpu.dma_semaphore, #tpu.memory_space<semaphore_mem>>) src(%arg8 : memref<10112xf32, #tpu.memory_space<vmem>>) dst(%dma_wait3A_106 : memref<10112xf32, #tpu.memory_space<hbm>>)
      tpu.yield
    }) : () -> ()
    return
  }
}

module attributes {stable_mosaic.version = 14 : i64} {
  func.func @_tc_body(%arg0: memref<128x10000xf32, #tpu.memory_space<vmem>>, %arg1: memref<2x10112x128xf32, #tpu.memory_space<vmem>>, %arg2: memref<2x16x10112xf32, #tpu.memory_space<vmem>>, %arg3: memref<128x128xf32, #tpu.memory_space<vmem>>, %arg4: memref<128x128xf32, #tpu.memory_space<vmem>>, %arg5: memref<128x1xf32, #tpu.memory_space<vmem>>, %arg6: memref<128x1xf32, #tpu.memory_space<vmem>>, %arg7: memref<1x1xf32, #tpu.memory_space<smem>>, %arg8: memref<128x10000xf32, #tpu.memory_space<vmem>>) attributes {dimension_semantics = [], scalar_prefetch = 0 : i64, scratch_operands = 0 : i64, tpu.core_type = #tpu.core_type<tc>} {
    %get3A = arith.constant 0 : index
    %get3A_0 = arith.constant 0 : index
    %get3A_1 = vector.load %arg0[%get3A, %get3A_0] : memref<128x10000xf32, #tpu.memory_space<vmem>>, vector<128x10000xf32>
    %get3A_2 = arith.constant 0 : index
    %get3A_3 = arith.constant 0 : index
    %get3A_4 = arith.constant 0 : index
    %get3A_5 = vector.load %arg1[%get3A_2, %get3A_3, %get3A_4] : memref<2x10112x128xf32, #tpu.memory_space<vmem>>, vector<1x10000x128xf32>
    %get3A_6 = vector.shape_cast %get3A_5 : vector<1x10000x128xf32> to vector<10000x128xf32>
    %get3A_7 = arith.constant 1 : index
    %get3A_8 = arith.constant 0 : index
    %get3A_9 = arith.constant 0 : index
    %get3A_10 = vector.load %arg1[%get3A_7, %get3A_8, %get3A_9] : memref<2x10112x128xf32, #tpu.memory_space<vmem>>, vector<1x10000x128xf32>
    %get3A_11 = vector.shape_cast %get3A_10 : vector<1x10000x128xf32> to vector<10000x128xf32>
    %add3A = arith.addf %get3A_6, %get3A_11 : vector<10000x128xf32>
    %get3A_12 = arith.constant 0 : index
    %get3A_13 = arith.constant 0 : index
    %get3A_14 = arith.constant 0 : index
    %get3A_15 = vector.load %arg2[%get3A_12, %get3A_13, %get3A_14] : memref<2x16x10112xf32, #tpu.memory_space<vmem>>, vector<2x16x10112xf32>
    %reduce_sum3A = arith.constant dense<0.000000e+00> : vector<10112xf32>
    %reduce_sum3A_16 = vector.multi_reduction <add>, %get3A_15, %reduce_sum3A [0, 1] : vector<2x16x10112xf32> to vector<10112xf32>
    %slice3A = vector.extract_strided_slice %reduce_sum3A_16 {offsets = [0], sizes = [10000], strides = [1]} : vector<10112xf32> to vector<10000xf32>
    %max3A = arith.constant 1.000000e+00 : f32
    %max3A_17 = vector.broadcast %max3A : f32 to vector<10000xf32>
    %max3A_18 = arith.maximumf %slice3A, %max3A_17 : vector<10000xf32>
    %div3A = arith.constant 1.000000e+00 : f32
    %div3A_19 = vector.broadcast %div3A : f32 to vector<10000xf32>
    %div3A_20 = arith.divf %div3A_19, %max3A_18 : vector<10000xf32>
    %get3A_21 = arith.constant 0 : index
    %get3A_22 = arith.constant 0 : index
    %get3A_23 = vector.load %arg4[%get3A_21, %get3A_22] : memref<128x128xf32, #tpu.memory_space<vmem>>, vector<128x128xf32>
    %dot_general3A = arith.constant dense<0.000000e+00> : vector<128x10000xf32>
    %dot_general3A_24 = tpu.matmul %get3A_23, %add3A, %dot_general3A {dimension_numbers = #tpu.dot_dimension_numbers<[1], [1], [0], [0], [0, 0, 1, 0], [], []>, transpose_lhs_hint = false} : vector<128x128xf32>, vector<10000x128xf32>, vector<128x10000xf32> -> vector<128x10000xf32>
    %get3A_25 = arith.constant 0 : index
    %get3A_26 = arith.constant 0 : index
    %get3A_27 = vector.load %arg3[%get3A_25, %get3A_26] : memref<128x128xf32, #tpu.memory_space<vmem>>, vector<128x128xf32>
    %dot_general3A_28 = arith.constant dense<0.000000e+00> : vector<128x10000xf32>
    %dot_general3A_29 = tpu.matmul %get3A_27, %get3A_1, %dot_general3A_28 {dimension_numbers = #tpu.dot_dimension_numbers<[1], [0], [0], [1], [0, 0, 1, 1], [], []>, transpose_lhs_hint = false} : vector<128x128xf32>, vector<128x10000xf32>, vector<128x10000xf32> -> vector<128x10000xf32>
    %broadcast_in_dim3A = vector.shape_cast %div3A_20 : vector<10000xf32> to vector<1x10000xf32>
    %mul3A = vector.broadcast %broadcast_in_dim3A : vector<1x10000xf32> to vector<128x10000xf32>
    %mul3A_30 = arith.mulf %dot_general3A_24, %mul3A : vector<128x10000xf32>
    %add3A_31 = arith.addf %dot_general3A_29, %mul3A_30 : vector<128x10000xf32>
    %reduce_sum3A_32 = arith.constant dense<0.000000e+00> : vector<128xf32>
    %reduce_sum3A_33 = vector.multi_reduction <add>, %add3A_31, %reduce_sum3A_32 [1] : vector<128x10000xf32> to vector<128xf32>
    %broadcast_in_dim3A_34 = vector.shape_cast %reduce_sum3A_33 : vector<128xf32> to vector<128x1xf32>
    %div3A_35 = arith.constant 1.000000e+04 : f32
    %div3A_36 = vector.broadcast %div3A_35 : f32 to vector<128x1xf32>
    %div3A_37 = arith.divf %broadcast_in_dim3A_34, %div3A_36 : vector<128x1xf32>
    %mul3A_38 = arith.mulf %add3A_31, %add3A_31 : vector<128x10000xf32>
    %reduce_sum3A_39 = arith.constant dense<0.000000e+00> : vector<128xf32>
    %reduce_sum3A_40 = vector.multi_reduction <add>, %mul3A_38, %reduce_sum3A_39 [1] : vector<128x10000xf32> to vector<128xf32>
    %broadcast_in_dim3A_41 = vector.shape_cast %reduce_sum3A_40 : vector<128xf32> to vector<128x1xf32>
    %div3A_42 = arith.constant 1.000000e+04 : f32
    %div3A_43 = vector.broadcast %div3A_42 : f32 to vector<128x1xf32>
    %div3A_44 = arith.divf %broadcast_in_dim3A_41, %div3A_43 : vector<128x1xf32>
    %mul3A_45 = arith.mulf %div3A_37, %div3A_37 : vector<128x1xf32>
    %sub3A = arith.subf %div3A_44, %mul3A_45 : vector<128x1xf32>
    %get3A_46 = arith.constant 0 : index
    %get3A_47 = arith.constant 0 : index
    %get3A_48 = vector.load %arg5[%get3A_46, %get3A_47] : memref<128x1xf32, #tpu.memory_space<vmem>>, vector<128x1xf32>
    %add3A_49 = arith.constant 9.99999974E-6 : f32
    %add3A_50 = vector.broadcast %add3A_49 : f32 to vector<128x1xf32>
    %add3A_51 = arith.addf %sub3A, %add3A_50 : vector<128x1xf32>
    %rsqrt3A = math.rsqrt %add3A_51 : vector<128x1xf32>
    %mul3A_52 = arith.mulf %get3A_48, %rsqrt3A : vector<128x1xf32>
    %sub3A_53 = vector.broadcast %div3A_37 : vector<128x1xf32> to vector<128x10000xf32>
    %sub3A_54 = arith.subf %add3A_31, %sub3A_53 : vector<128x10000xf32>
    %mul3A_55 = vector.broadcast %mul3A_52 : vector<128x1xf32> to vector<128x10000xf32>
    %mul3A_56 = arith.mulf %sub3A_54, %mul3A_55 : vector<128x10000xf32>
    %get3A_57 = arith.constant 0 : index
    %get3A_58 = arith.constant 0 : index
    %get3A_59 = vector.load %arg6[%get3A_57, %get3A_58] : memref<128x1xf32, #tpu.memory_space<vmem>>, vector<128x1xf32>
    %add3A_60 = vector.broadcast %get3A_59 : vector<128x1xf32> to vector<128x10000xf32>
    %add3A_61 = arith.addf %mul3A_56, %add3A_60 : vector<128x10000xf32>
    %get3A_62 = arith.constant 0 : index
    %get3A_63 = arith.constant 0 : index
    %get3A_64 = memref.load %arg7[%get3A_62, %get3A_63] : memref<1x1xf32, #tpu.memory_space<smem>>
    %ge3A = arith.constant 0.000000e+00 : f32
    %ge3A_65 = vector.broadcast %ge3A : f32 to vector<128x10000xf32>
    %ge3A_66 = arith.cmpf oge, %add3A_61, %ge3A_65 : vector<128x10000xf32>
    %mul3A_67 = vector.broadcast %get3A_64 : f32 to vector<128x10000xf32>
    %mul3A_68 = arith.mulf %mul3A_67, %add3A_61 : vector<128x10000xf32>
    %select_n3A = arith.select %ge3A_66, %add3A_61, %mul3A_68 : vector<128x10000xi1>, vector<128x10000xf32>
    %swap3A = arith.constant 0 : index
    %swap3A_69 = arith.constant 0 : index
    %swap3A_70 = vector.load %arg8[%swap3A, %swap3A_69] : memref<128x10000xf32, #tpu.memory_space<vmem>>, vector<128x10000xf32>
    tpu.vector_store %arg8[%swap3A, %swap3A_69], %select_n3A {strides = array<i32>} : memref<128x10000xf32, #tpu.memory_space<vmem>>, vector<128x10000xf32>,
    return
  }
}

</mosaic_0001>

<sc_bundles>
// kernel: kernel.4.cloned.1.call-start
scs
__scs_entry_jumppad:
0x0: {  	(pc) =	sbr.rel $0x88, $3  }
0x1: {  	(tag) =	ssettag $0x0;
	lr =	simm.s32 $0x1  }
0x2: {  	[smem:$0x3F99] =	sst lr;
	_ =	strace $0xD0000000  }
0x3: {  	_ = 	snop  }
0x4: {  	_ = 	snop  }
0x5: {  	_ = 	snop  }
0x6: {  	_ = 	snop  }
0x7: {  	_ = 	snop  }
__scs_overlays_trampoline_lowered:
0x8: {  	[smem:$0x3FA8] =	sst s0  }
0x9: {  	[smem:$0x3FA9] =	sst s1  }
0xa: {  	[smem:$0x3FAA] =	sst s2  }
0xb: {  	[smem:$0x3FAB] =	sst s3  }
0xc: {  	[smem:$0x3FAC] =	sst s4  }
0xd: {  	[smem:$0x3FAD] =	sst s5  }
0xe: {  	[smem:$0x3FAE] =	sst s6  }
0xf: {  	[smem:$0x3FAF] =	sst s7  }
0x10: {  	[smem:$0x3FB0] =	sst s8  }
0x11: {  	[smem:$0x3FB1] =	sst s9;
	s0 =	simm.s32 @!p0 $0x0  }
0x12: {  	s1 =	sld [smem:$0x3F97];
	s0 =	simm.s32 @p0 $0x1  }
0x13: {  	[smem:$0x3FB2] =	sst s0;
	s0 =	simm.s32 @!p1 $0x0  }
0x14: {  	s2 =	sld [smem:$0x3F96];
	s0 =	simm.s32 @p1 $0x1  }
0x15: {  	[smem:$0x3FB3] =	sst s0;
	s0 =	simm.s32 @!p2 $0x0  }
0x16: {  	s3 =	sld [smem:$0x3FDB];
	s0 =	simm.s32 @p2 $0x1  }
0x17: {  	s4 =	simm.s32 $0x1BF5;
	[smem:$0x3FB5] =	sst s0  }
0x18: {  	s0 =	sld [smem:$0x3F98];
	_ =	swait.ge [sflag:s4], $0x0  }
0x19: {  	s7 =	sld [smem:$0x3F99]  }
0x1a: {  	s8 =	sadd.s32 $0xFFFFE003, lr  }
0x1b: {  	s9 =	sadd.s32 $0xFFFFFEF7, lr;
	s5 =	simm.s32 $0xFFFFFFFF;
	p2 =	slt.u32 s8, $0xFFFFF086  }
0x1c: {  	p1 =	slt.u32 s9, $0xF7A;
	s5 =	simm.s32 @!p2 $0x0  }
0x1d: {  	s5 =	simm.s32 @p1 $0x1;
	p0 =	seq.s32 s7, s2  }
0x1e: {  	s7 =	smul.u32 @!p0 $0xF7A, s2;
	p2 =	seq.s32 @!p0 s5, $0x0  }
0x1f: {  	s9 =	smul.u32 $0xF7A, s1;
	s8 =	simm.s32 @!p0 $0x1BF5;
	p2 =	por !p2, p0  }
0x20: {  	[sflag:s8] =	ssyncset.s32 @!p0 $0xFFFFF086;
	s6 =	sadd.s32 @!p0 s3, s7;
	s7 =	simm.s32 @!p0 $0x108  }
0x21: {  	s3 =	sadd.s32 s3, s9;
	s6 =	sadd.s32 @!p0 $0x88, s6;
	s7 =	simm.s32 @p2 $0x1082  }
0x22: {  	[simem:s7], [sflag:s8] =	dma.local @!p0 [hbm:s6], $0xF7A  }
0x23: {  	s9 =	sor.u32 $0xD0000000, s2;
	s6 =	simm.s32 $0x108;
	_ =	swait.ge @!p0 [sflag:s8], $0x0  }
0x24: {  	s3 =	sadd.s32 $0x88, s3;
	s6 =	simm.s32 @!p1 $0x1082;
	[sflag:s4] =	ssyncset.s32 $0xFFFFF086  }
0x25: {  	[simem:s6], [sflag:s4] =	dma.local [hbm:s3], $0xF7A  }
0x26: {  	[smem:$0x3F99] =	sst s1;
	(tag) =	ssettag s2;
	_ =	strace s9  }
0x27: {  	s1 =	sld [smem:$0x3FA9]  }
0x28: {  	s2 =	sld [smem:$0x3FAA]  }
0x29: {  	s4 =	sld [smem:$0x3FAC]  }
0x2a: {  	p0 =	seq.s32 s5, $0x0;
	s5 =	sld [smem:$0x3FAD]  }
0x2b: {  	s6 =	sld [smem:$0x3FAE]  }
0x2c: {  	s7 =	sld [smem:$0x3FAF]  }
0x2d: {  	s3 =	simm.s32 $0x108;
	s8 =	sld [smem:$0x3FB0]  }
0x2e: {  	s3 =	simm.s32 @!p0 $0x1082;
	s9 =	sld [smem:$0x3FB1]  }
0x2f: {  	lr =	sadd.s32 s0, s3;
	s0 =	sld [smem:$0x3FA8]  }
0x30: {  	s3 =	sld [smem:$0x3FAB]  }
0x31: {  	[smem:$0x3FB4] =	sst s10  }
0x32: {  	s10 =	sld [smem:$0x3FB2];
	_ =	sdelay $0x3  }
0x33: {  	p0 =	seq.s32 s10, $0x1;
	s10 =	sld [smem:$0x3FB4];
	_ =	sdelay $0x3  }
0x34: {  	[smem:$0x3FB4] =	sst s10  }
0x35: {  	s10 =	sld [smem:$0x3FB3];
	_ =	sdelay $0x3  }
0x36: {  	p1 =	seq.s32 s10, $0x1;
	s10 =	sld [smem:$0x3FB4];
	_ =	sdelay $0x3  }
0x37: {  	[smem:$0x3FB4] =	sst s10  }
0x38: {  	s10 =	sld [smem:$0x3FB5]  }
0x39: {  	_ = 	snop;
	(pc) =	sbr.ind lr, $3  }
0x3a: {  	_ = 	snop  }
0x3b: {  	_ = 	snop  }
0x3c: {  	p2 =	seq.s32 s10, $0x1;
	s10 =	sld [smem:$0x3FB4]  }
0x3d: {  	_ =	shalt  }
0x3e: {  	_ =	shalt  }
0x3f: {  	_ =	shalt  }
0x40: {  	_ =	shalt  }
0x41: {  	_ =	shalt  }
0x42: {  	_ =	shalt  }
0x43: {  	_ =	shalt  }
0x44: {  	_ =	shalt  }
0x45: {  	_ =	shalt  }
0x46: {  	_ =	shalt  }
0x47: {  	_ =	shalt  }
0x48: {  	_ =	shalt  }
0x49: {  	_ =	shalt  }
0x4a: {  	_ =	shalt  }
0x4b: {  	_ =	shalt  }
0x4c: {  	_ =	shalt  }
0x4d: {  	_ =	shalt  }
0x4e: {  	_ =	shalt  }
0x4f: {  	_ =	shalt  }
0x50: {  	_ =	shalt  }
0x51: {  	_ =	shalt  }
0x52: {  	_ =	shalt  }
0x53: {  	_ =	shalt  }
0x54: {  	_ =	shalt  }
0x55: {  	_ =	shalt  }
0x56: {  	_ =	shalt  }
0x57: {  	_ =	shalt  }
0x58: {  	_ =	shalt  }
0x59: {  	_ =	shalt  }
0x5a: {  	_ =	shalt  }
0x5b: {  	_ =	shalt  }
0x5c: {  	_ =	shalt  }
0x5d: {  	_ =	shalt  }
0x5e: {  	_ =	shalt  }
0x5f: {  	_ =	shalt  }
0x60: {  	_ =	shalt  }
0x61: {  	_ =	shalt  }
0x62: {  	_ =	shalt  }
0x63: {  	_ =	shalt  }
0x64: {  	_ =	shalt  }
0x65: {  	_ =	shalt  }
0x66: {  	_ =	shalt  }
0x67: {  	_ =	shalt  }
0x68: {  	_ =	shalt  }
0x69: {  	_ =	shalt  }
0x6a: {  	_ =	shalt  }
0x6b: {  	_ =	shalt  }
0x6c: {  	_ =	shalt  }
0x6d: {  	_ =	shalt  }
0x6e: {  	_ =	shalt  }
0x6f: {  	_ =	shalt  }
0x70: {  	_ =	shalt  }
0x71: {  	_ =	shalt  }
0x72: {  	_ =	shalt  }
0x73: {  	_ =	shalt  }
0x74: {  	_ =	shalt  }
0x75: {  	_ =	shalt  }
0x76: {  	_ =	shalt  }
0x77: {  	_ =	shalt  }
0x78: {  	_ =	shalt  }
0x79: {  	_ =	shalt  }
0x7a: {  	_ =	shalt  }
0x7b: {  	_ =	shalt  }
0x7c: {  	_ =	shalt  }
0x7d: {  	_ =	shalt  }
0x7e: {  	_ =	shalt  }
0x7f: {  	_ =	shalt  }
0x80: {  	_ =	shalt  }
0x81: {  	_ =	shalt  }
0x82: {  	_ =	shalt  }
0x83: {  	_ =	shalt  }
0x84: {  	_ =	shalt  }
0x85: {  	_ =	shalt  }
0x86: {  	_ =	shalt  }
0x87: {  	_ =	shalt  }
.Lfunc_end0:
.L_simem_size_0:
called_computation_lowered:
.L_overlay_start_0:
0x88: {  	s2 =	sld [smem:$0x3FD9]  }
0x89: {  	s3 =	sld [smem:$0x3FFE];
	_ =	sdelay $0x1  }
0x8a: {  	s1 =	srdreg.scid  }
0x8b: {  	s0 =	sand.u32 $0x1, s1  }
0x8c: {  	s17 =	sshll.u32 s0, $0xA;
	s2 =	sadd.s32 s3, s2  }
0x8d: {  	s2 =	sadd.s32 s2, s17  }
0x8e: {  	[smem:$0x3FC0] =	sst s2  }
0x8f: {  	_ = 	snop  }
0x90: {  	s2 =	sld [smem:$0x3FC9]  }
0x91: {  	s18 =	sld [smem:$0x3FC3]  }
0x92: {  	s4 =	sld [smem:$0x3FC2]  }
0x93: {  	s5 =	sld [smem:$0x3FD0];
	(tm) =	ssettm $0x1  }
0x94: {  	s6 =	sld [smem:$0x3FFB];
	_ =	sdelay $0x3  }
0x95: {  	_ =	strace s6  }
0x96: {  	s6 =	sld [smem:$0x3FFC];
	_ =	sdelay $0x3  }
0x97: {  	_ =	strace s6  }
0x98: {  	s6 =	sld [smem:$0x3FFD];
	_ =	sdelay $0x3  }
0x99: {  	_ =	strace s6  }
0x9a: {  	_ =	strace $0x8FFFFFFF  }
0x9b: {  	s19 =	sld [smem:$0x3FDB];
	_ =	sdelay $0x1  }
0x9c: {  	s7 =	simm.s32 $_scs_section_size  }
0x9d: {  	s8 =	simm.s32 $_size__tile_overlayer_lowered;
	s9 =	simm.s32 $_tile_overlayer_lowered  }
0x9e: {  	s22 =	simm.s32 $0x1BFF;
	s21 =	sshll.u32 s9, $0x1;
	s6 =	sadd.s32 s7, s19  }
0x9f: {  	s10 =	simm.s32 $0x0;
	s20 =	sshll.u32 s8, $0x1;
	s8 =	sadd.s32 s21, s6  }
0xa0: {  	[timem:s10], [sflag:s22] =	dma.local [hbm:s8], s20  }
0xa1: {  	_ =	swait.ge [sflag:s22], s20  }
0xa2: {  	s7 =	ssub.s32 $0x0, s20;
	[sflag:s22] =	ssyncset.done $0x0  }
0xa3: {  	[sflag:s22] =	ssyncadd.s32 s7;
	_ =	sdelay $0x1  }
0xa4: {  	s23 =	simm.s32 $0x1B8B  }
0xa5: {  	_ =	swait.ge [sflag:s23], $0x1  }
0xa6: {  	[sflag:s23] =	ssyncset.done $0x0  }
0xa7: {  	s25 =	simm.s32 $0x1B8E;
	s24 =	sld [smem:$0x3FFE];
	[sflag:s23] =	ssyncadd.s32 $0xFFFFFFFF  }
0xa8: {  	s26 =	simm.s32 $execute0_lowered;
	[smem:$0x3FD2] =	sst s25  }
0xa9: {  	s8 =	sshll.u32 s26, $0x1;
	_ =	strace $0x80000046;
	[dreg:$0x1] =	wrdreg $0xFFFFFFFF  }
0xaa: {  	s28 =	simm.s32 $_size_execute0_lowered;
	s6 =	sadd.s32 s6, s8;
	[dreg:$0x0] =	wrdreg $0x0  }
0xab: {  	s8 =	sshll.u32 s28, $0x1;
	[dreg:$0x2] =	wrdreg s6  }
0xac: {  	[dreg:$0x3] =	wrdreg s8  }
0xad: {  	[dreg:$0x4] =	wrdreg $0xC0  }
0xae: {  	_ =	task [dreg:s10], $0x5FFFF  }
0xaf: {  	[dreg:$0x1] =	wrdreg $0xFFFFFFFF  }
0xb0: {  	[dreg:$0x0] =	wrdreg $0x60  }
0xb1: {  	[dreg:$0x2] =	wrdreg s2  }
0xb2: {  	[dreg:$0x3] =	wrdreg s4  }
0xb3: {  	[dreg:$0x4] =	wrdreg s18  }
0xb4: {  	[dreg:$0x5] =	wrdreg s24  }
0xb5: {  	[dreg:$0x6] =	wrdreg s5  }
0xb6: {  	[dreg:$0x7] =	wrdreg $0x0  }
0xb7: {  	[dreg:$0x8] =	wrdreg $0x9  }
0xb8: {  	_ =	task.clear_ibuf [dreg:s10], $0x9FFFF;
	_ =	strace $0x90000046  }
0xb9: {  	s29 =	simm.s32 $0x9;
	_ =	strace $0x80000048  }
0xba: {  	_ =	swait.ge [sflag:s29], $0x1  }
0xbb: {  	[sflag:s29] =	ssyncadd.s32 $0xFFFFFFFF  }
0xbc: {  	_ =	strace $0x90000048  }
0xbd: {  	_ =	sfence  }
0xbe: {  	s30 =	sld [smem:$0x0];
	_ =	sdelay $0x2  }
0xbf: {  	s31 =	sshll.u32 s1, $0xD;
	s1 =	sshrl.u32 s1, $0x2  }
0xc0: {  	s3 =	sand.u32 $0x4000, s31;
	s1 =	sadd.s32 s1, s30  }
0xc1: {  	s0 =	sor.u32 s3, s0;
	s1 =	sshll.u32 s1, $0x11  }
0xc2: {  	s0 =	sor.u32 s1, s0  }
0xc3: {  	s0 =	sadd.s32 $0x8F2B, s0  }
0xc4: {  	[sflag:s0] =	ssyncadd.remote.s32 $0x1  }
0xc5: {  	_ =	sfence.sel $0xFFFF  }
0xc6: {  	[dreg:$0x0] =	wrdreg $0xFFFFFFFF;
	(pc) =	sbr.abs _section_cstart, $3  }
0xc7: {  	[dreg:$0x1] =	wrdreg $0xFFFFFFFF  }
0xc8: {  	_ =	task.clear_ibuf [dreg:s10], $0x2FFFF;
	_ =	strace $0x9FFFFFFF  }
0xc9: {  	(tm) =	ssettm $0x7FFFFFFF  }
tec
execute0_lowered:
.L_overlay_start_1:
0x0: {  	(tag) =	ssettag $0x1  }
0x1: {  	s0 =	rddreg [dreg:$0x0]  }
0x2: {  	s1 =	rddreg [dreg:$0x1]  }
0x3: {  	s2 =	rddreg [dreg:$0x2]  }
0x4: {  	s3 =	rddreg [dreg:$0x3]  }
0x5: {  	s4 =	srdreg.scid;
	s14 =	stileid.u32  }
0x6: {  	s7 =	rddreg [dreg:$0x4];
	s9 =	smul.u32 $0x13C00, s14  }
0x7: {  	s5 =	rddreg [dreg:$0x5];
	s6 =	simm.s32 $0x0;
	s11 =	smul.u32 $0x4F000, s14  }
0x8: {  	s29 =	simm.s32 $0x1DC00;
	s4 =	sand.u32 $0x1, s4;
	s15 =	smul.u32 $0x2710, s14  }
0x9: {  	s31 =	simm.s32 $0x1DD80;
	s30 =	simm.s32 $0x50;
	s8 =	smul.u32 $0x13C000, s4  }
0xa: {  	s13 =	sshrl.u32 s14, $0x3;
	s10 =	sshll.u32 s4, $0x4;
	s24 =	smul.u32 $0x27800, s4  }
0xb: {  	[smem:$0x7FF] =	sst s6;
	s25 =	smul.u32 $0x13C00, s13;
	s10 =	sor.u32 s14, s10  }
0xc: {  	_ =	strace $0x80000047;
	s19 =	ssub.s32 $0x2, s4;
	s18 =	smul.u32 $0x2710, s10  }
0xd: {  	s4 =	smul.u32 $0x27100, s4;
	s13 =	sshll.u32 s14, $0x7;
	s23 =	sshrl.u32 s11, $0x2  }
0xe: {  	s8 =	sadd.s32 s9, s8;
	s9 =	sshrl.u32 s18, $0x3;
	s18 =	sadd.s32 s23, s5  }
0xf: {  	s20 =	sshrl.u32 s19, $0x1;
	s12 =	sadd.s32 s1, s9;
	[dreg:$0xb] =	wrdreg s18  }
0x10: {  	s21 =	sadd.s32 $0xA, s9;
	s9 =	sadd.s32 s2, s9;
	[dreg:$0x7] =	wrdreg s12  }
0x11: {  	s4 =	sadd.s32 s15, s4;
	s26 =	sadd.s32 $0x2800, s18;
	[dreg:$0x9] =	wrdreg s9  }
0x12: {  	s15 =	simm.s32 $0x3;
	s28 =	sadd.s32 $0x5000, s18;
	[dreg:$0xc] =	wrdreg s26  }
0x13: {  	s8 =	sshrl.u32 s8, $0x3;
	s11 =	sadd.s32 $0x7800, s18;
	[dreg:$0xd] =	wrdreg s28  }
0x14: {  	s3 =	sadd.s32 s8, s3;
	s16 =	sadd.s32 $0xA000, s18;
	[dreg:$0xe] =	wrdreg s11  }
0x15: {  	s8 =	ssub.s32 s19, s20;
	s17 =	sadd.s32 $0xC800, s18;
	[dreg:$0xf] =	wrdreg s16  }
0x16: {  	s20 =	sadd.s32 $0x140, s4;
	s19 =	sadd.s32 $0xF000, s18;
	[dreg:$0x10] =	wrdreg s17  }
0x17: {  	s3 =	sadd.s32 $0x1600, s3;
	s23 =	smax.u32 s8, $0x1;
	[dreg:$0x11] =	wrdreg s19  }
0x18: {  	s8 =	simm.s32 $0x1B380;
	s22 =	sadd.s32 s1, s21;
	[dreg:$0x12] =	wrdreg s3  }
0x19: {  	s10 =	sadd.s32 s2, s21;
	s9 =	sadd.s32 s24, s25;
	[dreg:$0x14] =	wrdreg s23  }
0x1a: {  	s24 =	sadd.s32 $0xA0, s4;
	s25 =	sadd.s32 $0xF0, s4;
	s28 =	sadd.s32 $0x11800, s18  }
0x1b: {  	s3 =	simm.s32 $0x8;
	s16 =	simm.s32 $0xC;
	[dreg:$0x8] =	wrdreg s22  }
0x1c: {  	s17 =	simm.s32 $0x1DE00;
	s11 =	simm.s32 $0x0;
	[dreg:$0xa] =	wrdreg s10  }
0x1d: {  	s10 =	sand.u32 $0x380, s13;
	s22 =	sshrl.u32 s20, $0x3;
	[dreg:$0x15] =	wrdreg s25  }
.Ltmp0:
0x1e: {  	s26 =	sshrl.u32 s24, $0x3;
	[dreg:$0x16] =	wrdreg s28;
	(pc) =	sbr.rel .LBB2_1-.Ltmp0, $4  }
0x1f: {  	s13 =	simm.s32 $0x5;
	s9 =	sor.u32 s10, s9;
	s24 =	sadd.s32 s26, s2  }
0x20: {  	s25 =	sadd.s32 s26, s1;
	s10 =	simm.s32 $0x13C00;
	s9 =	sshrl.u32 s9, $0x3  }
0x21: {  	s21 =	sadd.s32 s7, s9;
	s7 =	simm.s32 $0x18B80;
	s9 =	simm.s32 $0xD  }
0x22: {  	v0 =	vimm.f32 $0.0e+00;
	[dreg:$0x13] =	wrdreg s21;
	s21 =	sadd.s32 s22, s2;
	s22 =	sadd.s32 s22, s1  }
.LBB2_8:
0x23: {  	s4 =	simm.s32 $0x4  }
0x24: {  	_ =	swait.ge [sflag:s4], $0x2800  }
0x25: {  	[sflag:s4] =	ssyncset.done $0x0  }
0x26: {  	[sflag:s4] =	ssyncadd.s32 $0xFFFFD800  }
0x27: {  	_ =	swait.ge [sflag:s13], $0x2800  }
0x28: {  	[sflag:s13] =	ssyncset.done $0x0  }
0x29: {  	s14 =	simm.s32 $0x6;
	[sflag:s13] =	ssyncadd.s32 $0xFFFFD800  }
0x2a: {  	_ =	swait.ge [sflag:s14], $0x2800  }
0x2b: {  	[sflag:s14] =	ssyncset.done $0x0  }
0x2c: {  	[sflag:s14] =	ssyncadd.s32 $0xFFFFD800  }
0x2d: {  	s18 =	stileid.u32;
	[bflag:$0x0] =	sbarrier.arrive $0xFFFF  }
0x2e: {  	s4 =	sshll.u32 s18, $0x6;
	s18 =	rddreg [dreg:$0xb]  }
0x2f: {  	s4 =	sor.u32 $0x1C0D, s4;
	s12 =	rddreg [dreg:$0x12];
	s11 =	sshrl.u32 s18, $0x3  }
0x30: {  	[hbm:s12], [sflag:s4] =	dma.local [spmem:s11], $0x2780  }
0x31: {  	_ =	swait.ge [sflag:s9], $0x2780  }
0x32: {  	s20 =	simm.s32 $0x80;
	[sflag:s9] =	ssyncset.done $0x0  }
0x33: {  	s23 =	simm.s32 $0x400;
	s19 =	rddreg [dreg:$0x13];
	[sflag:s9] =	ssyncadd.s32 $0xFFFFD880  }
0x34: {  	[hbm4b:s19+s20] =	stream.strided.scatter [tilespmem:s10], [sflag:$0xD], $0x2780, s23, s20, $0x38;
	[tilespmem:$0x1DE80] =	vst v63  }
0x35: {  	_ =	swait.ge [sflag:s9], $0x2780  }
0x36: {  	s26 =	rddreg [dreg:$0x17]  }
0x37: {  	s28 =	rddreg [dreg:$0x14];
	s11 =	sadd.s32 $0x1, s26  }
0x38: {  	p0 =	sne.s32 s11, s28  }
.Ltmp1:
0x39: {  	_ = 	snop;
	(pc) =	sbr.rel @!p0 .LBB2_9-.Ltmp1, $3  }
0x3a: {  	_ =	sdelay $0x1  }
0x3b: {  	[sflag:s9] =	ssyncset.done $0x0  }
0x3c: {  	[sflag:s9] =	ssyncadd.s32 $0xFFFFD880  }
.LBB2_1:
0x3d: {  	[dreg:$0x17] =	wrdreg s11  }
0x3e: {  	s4 =	rddreg [dreg:$0x7];
	s28 =	simm.s32 $0x1DB80  }
0x3f: {  	[tilespmem:s28], [sflag:$0x7] =	stream.linear.gather [hbm4b:s4+s6], $0x50, $0x38;
	[tilespmem:$0x1DE80] =	vst v63  }
0x40: {  	s12 =	rddreg [dreg:$0x8]  }
0x41: {  	[tilespmem:s29], [sflag:$0x8] =	stream.linear.gather [hbm4b:s12+s6], $0x50, $0x38;
	[tilespmem:$0x1DE80] =	vst v63  }
0x42: {  	s14 =	rddreg [dreg:$0x9];
	s12 =	simm.s32 $0x1DD00  }
0x43: {  	[tilespmem:s12], [sflag:$0xA] =	stream.linear.gather [hbm4b:s14+s6], $0x50, $0x38;
	[tilespmem:$0x1DE80] =	vst v63  }
0x44: {  	s19 =	rddreg [dreg:$0xa];
	s20 =	simm.s32 $0x7  }
0x45: {  	[tilespmem:s31], [sflag:$0xB] =	stream.linear.gather [hbm4b:s19+s6], $0x50, $0x38;
	[tilespmem:$0x1DE80] =	vst v63  }
0x46: {  	_ =	swait.ge [sflag:s20], $0x50  }
0x47: {  	[sflag:s20] =	ssyncset.done $0x0  }
0x48: {  	s23 =	simm.s32 $0x16380;
	[sflag:s20] =	ssyncadd.s32 $0xFFFFFFB0  }
0x49: {  	[tilespmem:s23], [sflag:$0x1] =	stream.indirect.gather [hbm4b:s0+s30], $0x80, s28, s30, $0xb8;
	[tilespmem:$0x1DE80] =	vst v63  }
0x4a: {  	s26 =	sand.u32 $0xFE00, s6;
	s4 =	simm.s32 $0x40;
	_ =	swait.ge [sflag:s3], $0x50  }
0x4b: {  	s19 =	sshrl.u32 s26, $0x2;
	s28 =	sand.u32 $0x70, s6;
	[sflag:s3] =	ssyncset.done $0x0  }
0x4c: {  	s12 =	simm.s32 $0x0;
	s19 =	sor.u32 s28, s19;
	[sflag:s3] =	ssyncadd.s32 $0xFFFFFFB0  }
0x4d: {  	[tilespmem:s7], [sflag:$0x2] =	stream.indirect.gather [hbm4b:s0+s30], $0x80, s29, s30, $0xb8;
	[tilespmem:$0x1DE80] =	vst v63  }
.LBB2_2:
0x4e: {  	p0 =	sne.s32 s4, $0x9FC0  }
0x4f: {  	[tilespmem:s19+$0x1B380] =	vst v0;
	s12 =	sadd.s32 $0x10, s12;
	s19 =	smov.u32 s4;
	s4 =	sadd.s32 $0x40, s4  }
.Ltmp2:
0x50: {  	(pc) =	sbr.rel @p0 .LBB2_2-.Ltmp2, $4  }
0x51: {  	_ = 	snop  }
0x52: {  	s19 =	sand.u32 $0xFE00, s19  }
0x53: {  	s20 =	sand.u32 $0x70, s12;
	s19 =	sshrl.u32 s19, $0x2  }
0x54: {  	s19 =	sor.u32 s20, s19  }
0x55: {  	[tilespmem:s19+$0x1B380] =	vst v0  }
0x56: {  	[spmem:s18] =	stream.linear.scatter [tilespmem:s8], [sflag:$0xD], $0x2800, $0x38;
	[tilespmem:$0x1DE80] =	vst v63  }
0x57: {  	_ =	swait.ge [sflag:s9], $0x2800  }
0x58: {  	[sflag:s9] =	ssyncset.done $0x0  }
0x59: {  	s4 =	rddreg [dreg:$0xc];
	[sflag:s9] =	ssyncadd.s32 $0xFFFFD800  }
0x5a: {  	[spmem:s4] =	stream.linear.scatter [tilespmem:s8], [sflag:$0xD], $0x2800, $0x38;
	[tilespmem:$0x1DE80] =	vst v63  }
0x5b: {  	_ =	swait.ge [sflag:s9], $0x2800  }
0x5c: {  	[sflag:s9] =	ssyncset.done $0x0  }
0x5d: {  	s18 =	rddreg [dreg:$0xd];
	[sflag:s9] =	ssyncadd.s32 $0xFFFFD800  }
0x5e: {  	[spmem:s18] =	stream.linear.scatter [tilespmem:s8], [sflag:$0xD], $0x2800, $0x38;
	[tilespmem:$0x1DE80] =	vst v63  }
0x5f: {  	_ =	swait.ge [sflag:s9], $0x2800  }
0x60: {  	[sflag:s9] =	ssyncset.done $0x0  }
0x61: {  	s19 =	rddreg [dreg:$0xe];
	[sflag:s9] =	ssyncadd.s32 $0xFFFFD800  }
0x62: {  	[spmem:s19] =	stream.linear.scatter [tilespmem:s8], [sflag:$0xD], $0x2800, $0x38;
	[tilespmem:$0x1DE80] =	vst v63  }
0x63: {  	_ =	swait.ge [sflag:s9], $0x2800  }
0x64: {  	[sflag:s9] =	ssyncset.done $0x0  }
0x65: {  	s20 =	rddreg [dreg:$0xf];
	[sflag:s9] =	ssyncadd.s32 $0xFFFFD800  }
0x66: {  	[spmem:s20] =	stream.linear.scatter [tilespmem:s8], [sflag:$0xD], $0x2800, $0x38;
	[tilespmem:$0x1DE80] =	vst v63  }
0x67: {  	_ =	swait.ge [sflag:s9], $0x2800  }
0x68: {  	[sflag:s9] =	ssyncset.done $0x0  }
0x69: {  	s23 =	rddreg [dreg:$0x10];
	[sflag:s9] =	ssyncadd.s32 $0xFFFFD800  }
0x6a: {  	[spmem:s23] =	stream.linear.scatter [tilespmem:s8], [sflag:$0xD], $0x2800, $0x38;
	[tilespmem:$0x1DE80] =	vst v63  }
0x6b: {  	_ =	swait.ge [sflag:s9], $0x2800  }
0x6c: {  	[sflag:s9] =	ssyncset.done $0x0  }
0x6d: {  	s26 =	rddreg [dreg:$0x11];
	[sflag:s9] =	ssyncadd.s32 $0xFFFFD800  }
0x6e: {  	[spmem:s26] =	stream.linear.scatter [tilespmem:s8], [sflag:$0xD], $0x2800, $0x38;
	[tilespmem:$0x1DE80] =	vst v63  }
0x6f: {  	_ =	swait.ge [sflag:s9], $0x2800  }
0x70: {  	[sflag:s9] =	ssyncset.done $0x0  }
0x71: {  	s28 =	rddreg [dreg:$0x16];
	[sflag:s9] =	ssyncadd.s32 $0xFFFFD800  }
0x72: {  	[spmem:s28] =	stream.linear.scatter [tilespmem:s8], [sflag:$0xD], $0x2400, $0x38;
	[tilespmem:$0x1DE80] =	vst v63  }
0x73: {  	_ =	swait.ge [sflag:s9], $0x2400  }
0x74: {  	[sflag:s9] =	ssyncset.done $0x0  }
0x75: {  	s12 =	simm.s32 $0x0;
	s4 =	simm.s32 $0x40;
	[sflag:s9] =	ssyncadd.s32 $0xFFFFDC00  }
.LBB2_4:
0x76: {  	p0 =	sne.s32 s4, $0x9DC0;
	[tilespmem:s12+$0x13C00] =	vst v0;
	s12 =	smov.u32 s4;
	s4 =	sadd.s32 $0x40, s4  }
.Ltmp3:
0x77: {  	(pc) =	sbr.rel @p0 .LBB2_4-.Ltmp3, $2  }
0x78: {  	_ =	sdelay $0x2  }
0x79: {  	s12 =	sshra.s32 s12, $0x2  }
0x7a: {  	[tilespmem:s12+$0x13C00] =	vst v0  }
0x7b: {  	[bflag:$0x0] =	sbarrier.arrive $0xFFFF  }
0x7c: {  	s19 =	simm.s32 $0x0;
	s23 =	rddreg [dreg:$0x15]  }
.LBB2_6:
0x7d: {  	p0 =	seq.s32 s19, $0x4CE  }
0x7e: {  	s4 =	simm.s32 @p0 $0x1  }
0x7f: {  	_ =	swait.ge @p0 [sflag:s4], $0x2800  }
0x80: {  	[sflag:s4] =	ssyncset.done @p0 $0x0  }
0x81: {  	[sflag:s4] =	ssyncadd.s32 @p0 $0xFFFFD800;
	s4 =	simm.s32 @p0 $0xA  }
0x82: {  	_ =	swait.ge @p0 [sflag:s4], $0x50  }
0x83: {  	s12 =	simm.s32 @p0 $0x50;
	[sflag:s4] =	ssyncset.done @p0 $0x0  }
0x84: {  	s20 =	simm.s32 @p0 $0x16380;
	[sflag:s4] =	ssyncadd.s32 @p0 $0xFFFFFFB0;
	s4 =	simm.s32 @p0 $0x1DD00  }
0x85: {  	[spmem:s5] =	stream.indirect.scatter.add.f32 @p0 [tilespmem:s20], [sflag:$0x4], $0x80, s4, s12, $0xb8;
	[tilespmem:$0x1DE80] =	vst v63  }
0x86: {  	s28 =	simm.s32 @!p0 $0x0;
	s14 =	simm.s32 @!p0 $0x1DC80;
	s4 =	sadd.s32 @!p0 s19, s25  }
0x87: {  	[tilespmem:s14], [sflag:$0x9] =	stream.linear.gather @!p0 [hbm4b:s4+s28], $0x50, $0x38;
	[tilespmem:$0x1DE80] =	vst v63  }
0x88: {  	s4 =	simm.s32 @!p0 $0x1  }
0x89: {  	_ =	swait.ge @!p0 [sflag:s4], $0x2800  }
0x8a: {  	[sflag:s4] =	ssyncset.done @!p0 $0x0  }
0x8b: {  	p1 =	seq.s32 @!p0 s19, $0x0;
	[sflag:s4] =	ssyncadd.s32 @!p0 $0xFFFFD800;
	s4 =	simm.s32 @!p0 $0xA  }
0x8c: {  	p1 =	por p1, p0;
	_ =	swait.ge @!p0 [sflag:s4], $0x50  }
0x8d: {  	s26 =	simm.s32 @!p0 $0x16380;
	s11 =	simm.s32 @!p1 $0x6;
	[sflag:s4] =	ssyncset.done @!p0 $0x0  }
0x8e: {  	s20 =	simm.s32 @!p0 $0x50;
	[sflag:s4] =	ssyncadd.s32 @!p0 $0xFFFFFFB0;
	s4 =	simm.s32 @!p0 $0x1DD00  }
0x8f: {  	[spmem:s5] =	stream.indirect.scatter.add.f32 @!p0 [tilespmem:s26], [sflag:$0x4], $0x80, s4, s20, $0xb8;
	[tilespmem:$0x1DE80] =	vst v63  }
0x90: {  	_ =	swait.ge @!p1 [sflag:s11], $0x2800  }
0x91: {  	[sflag:s11] =	ssyncset.done @!p1 $0x0  }
0x92: {  	s18 =	simm.s32 @!p0 $0x1DE00;
	[sflag:s11] =	ssyncadd.s32 @!p1 $0xFFFFD800;
	s11 =	sadd.s32 @!p0 s19, s24  }
0x93: {  	[tilespmem:s18], [sflag:$0xC] =	stream.linear.gather @!p0 [hbm4b:s11+s28], $0x50, $0x38;
	[tilespmem:$0x1DE80] =	vst v63  }
0x94: {  	s11 =	simm.s32 @!p0 $0x9  }
0x95: {  	_ =	swait.ge @!p0 [sflag:s11], $0x50  }
0x96: {  	[sflag:s11] =	ssyncset.done @!p0 $0x0  }
0x97: {  	[sflag:s11] =	ssyncadd.s32 @!p0 $0xFFFFFFB0;
	s11 =	simm.s32 @!p0 $0x1B380  }
0x98: {  	[tilespmem:s11], [sflag:$0x3] =	stream.indirect.gather @!p0 [hbm4b:s0+s20], $0x80, s14, s20, $0xb8;
	[tilespmem:$0x1DE80] =	vst v63  }
0x99: {  	v1 =	vld [tilespmem:$0x1DD00];
	_ =	sdelay $0x4  }
0x9a: {  	(xrf1) =	vunique.msk.u32 $0xffff, v1;
	_ =	sdelay $0xd  }
0x9b: {  	_, v2, vm0 =	vpop (xrf1);
	_ =	sdelay $0x3  }
0x9c: {  	v2 =	vcvt.s32.f32 v2;
	_ =	sdelay $0x1  }
0x9d: {  	[tilespmem:v1+s10+$0x0] =	vst.idx.add.f32.msk vm0, v2  }
0x9e: {  	v1 =	vld [tilespmem:$0x1DD10];
	_ =	sdelay $0x4  }
0x9f: {  	(xrf1) =	vunique.msk.u32 $0xffff, v1;
	_ =	sdelay $0xd  }
0xa0: {  	_, v2, vm0 =	vpop (xrf1);
	_ =	sdelay $0x3  }
0xa1: {  	v2 =	vcvt.s32.f32 v2;
	_ =	sdelay $0x1  }
0xa2: {  	[tilespmem:v1+s10+$0x0] =	vst.idx.add.f32.msk vm0, v2  }
0xa3: {  	v1 =	vld [tilespmem:$0x1DD20];
	_ =	sdelay $0x4  }
0xa4: {  	(xrf1) =	vunique.msk.u32 $0xffff, v1;
	_ =	sdelay $0xd  }
0xa5: {  	_, v2, vm0 =	vpop (xrf1);
	_ =	sdelay $0x3  }
0xa6: {  	v2 =	vcvt.s32.f32 v2;
	_ =	sdelay $0x1  }
0xa7: {  	[tilespmem:v1+s10+$0x0] =	vst.idx.add.f32.msk vm0, v2  }
0xa8: {  	v1 =	vld [tilespmem:$0x1DD30];
	_ =	sdelay $0x4  }
0xa9: {  	(xrf1) =	vunique.msk.u32 $0xffff, v1;
	_ =	sdelay $0xd  }
0xaa: {  	_, v2, vm0 =	vpop (xrf1);
	_ =	sdelay $0x3  }
0xab: {  	v2 =	vcvt.s32.f32 v2;
	_ =	sdelay $0x1  }
0xac: {  	[tilespmem:v1+s10+$0x0] =	vst.idx.add.f32.msk vm0, v2  }
0xad: {  	v1 =	vld [tilespmem:$0x1DD40];
	_ =	sdelay $0x4  }
0xae: {  	(xrf1) =	vunique.msk.u32 $0xffff, v1;
	_ =	sdelay $0xd  }
0xaf: {  	_, v2, vm0 =	vpop (xrf1);
	_ =	sdelay $0x3  }
0xb0: {  	v2 =	vcvt.s32.f32 v2;
	_ =	sdelay $0x1  }
0xb1: {  	s11 =	simm.s32 @p0 $0x2;
	[tilespmem:v1+s10+$0x0] =	vst.idx.add.f32.msk vm0, v2  }
0xb2: {  	_ =	swait.ge @p0 [sflag:s11], $0x2800  }
0xb3: {  	[sflag:s11] =	ssyncset.done @p0 $0x0  }
0xb4: {  	[sflag:s11] =	ssyncadd.s32 @p0 $0xFFFFD800;
	s11 =	simm.s32 @p0 $0xB  }
0xb5: {  	_ =	swait.ge @p0 [sflag:s11], $0x50  }
0xb6: {  	[sflag:s11] =	ssyncset.done @p0 $0x0  }
0xb7: {  	s14 =	simm.s32 @p0 $0x18B80;
	[sflag:s11] =	ssyncadd.s32 @p0 $0xFFFFFFB0;
	s11 =	simm.s32 @p0 $0x1DD80  }
0xb8: {  	[spmem:s5] =	stream.indirect.scatter.add.f32 @p0 [tilespmem:s14], [sflag:$0x5], $0x80, s11, s12, $0xb8;
	[tilespmem:$0x1DE80] =	vst v63  }
0xb9: {  	s11 =	sshrl.u32 @!p0 s23, $0x3  }
0xba: {  	s14 =	simm.s32 @!p0 $0x1DB80;
	s12 =	sadd.s32 @!p0 s1, s11  }
0xbb: {  	[tilespmem:s14], [sflag:$0x7] =	stream.linear.gather @!p0 [hbm4b:s12+s28], $0x50, $0x38;
	[tilespmem:$0x1DE80] =	vst v63  }
0xbc: {  	s12 =	simm.s32 @!p0 $0x2  }
0xbd: {  	_ =	swait.ge @!p0 [sflag:s12], $0x2800  }
0xbe: {  	[sflag:s12] =	ssyncset.done @!p0 $0x0  }
0xbf: {  	[sflag:s12] =	ssyncadd.s32 @!p0 $0xFFFFD800;
	s12 =	simm.s32 @!p0 $0xB  }
0xc0: {  	_ =	swait.ge @!p0 [sflag:s12], $0x50  }
0xc1: {  	[sflag:s12] =	ssyncset.done @!p0 $0x0  }
0xc2: {  	s18 =	simm.s32 @!p0 $0x18B80;
	[sflag:s12] =	ssyncadd.s32 @!p0 $0xFFFFFFB0;
	s12 =	simm.s32 @!p0 $0x1DD80  }
0xc3: {  	[spmem:s5] =	stream.indirect.scatter.add.f32 @!p0 [tilespmem:s18], [sflag:$0x5], $0x80, s12, s20, $0xb8;
	[tilespmem:$0x1DE80] =	vst v63  }
0xc4: {  	s12 =	simm.s32 @!p0 $0x4  }
0xc5: {  	_ =	swait.ge @!p0 [sflag:s12], $0x2800  }
0xc6: {  	[sflag:s12] =	ssyncset.done @!p0 $0x0  }
0xc7: {  	s11 =	sadd.s32 @!p0 s2, s11;
	[sflag:s12] =	ssyncadd.s32 @!p0 $0xFFFFD800  }
0xc8: {  	[tilespmem:s4], [sflag:$0xA] =	stream.linear.gather @!p0 [hbm4b:s11+s28], $0x50, $0x38;
	[tilespmem:$0x1DE80] =	vst v63  }
0xc9: {  	s4 =	simm.s32 @!p0 $0x7  }
0xca: {  	_ =	swait.ge @!p0 [sflag:s4], $0x50  }
0xcb: {  	[sflag:s4] =	ssyncset.done @!p0 $0x0  }
0xcc: {  	[sflag:s4] =	ssyncadd.s32 @!p0 $0xFFFFFFB0  }
0xcd: {  	[tilespmem:s26], [sflag:$0x1] =	stream.indirect.gather @!p0 [hbm4b:s0+s20], $0x80, s14, s20, $0xb8;
	[tilespmem:$0x1DE80] =	vst v63  }
0xce: {  	v1 =	vld [tilespmem:$0x1DD80];
	_ =	sdelay $0x4  }
0xcf: {  	(xrf1) =	vunique.msk.u32 $0xffff, v1;
	_ =	sdelay $0xd  }
0xd0: {  	_, v2, vm0 =	vpop (xrf1);
	_ =	sdelay $0x3  }
0xd1: {  	v2 =	vcvt.s32.f32 v2;
	_ =	sdelay $0x1  }
0xd2: {  	[tilespmem:v1+s10+$0x0] =	vst.idx.add.f32.msk vm0, v2  }
0xd3: {  	v1 =	vld [tilespmem:$0x1DD90];
	_ =	sdelay $0x4  }
0xd4: {  	(xrf1) =	vunique.msk.u32 $0xffff, v1;
	_ =	sdelay $0xd  }
0xd5: {  	_, v2, vm0 =	vpop (xrf1);
	_ =	sdelay $0x3  }
0xd6: {  	v2 =	vcvt.s32.f32 v2;
	_ =	sdelay $0x1  }
0xd7: {  	[tilespmem:v1+s10+$0x0] =	vst.idx.add.f32.msk vm0, v2  }
0xd8: {  	v1 =	vld [tilespmem:$0x1DDA0];
	_ =	sdelay $0x4  }
0xd9: {  	(xrf1) =	vunique.msk.u32 $0xffff, v1;
	_ =	sdelay $0xd  }
0xda: {  	_, v2, vm0 =	vpop (xrf1);
	_ =	sdelay $0x3  }
0xdb: {  	v2 =	vcvt.s32.f32 v2;
	_ =	sdelay $0x1  }
0xdc: {  	[tilespmem:v1+s10+$0x0] =	vst.idx.add.f32.msk vm0, v2  }
0xdd: {  	v1 =	vld [tilespmem:$0x1DDB0];
	_ =	sdelay $0x4  }
0xde: {  	(xrf1) =	vunique.msk.u32 $0xffff, v1;
	_ =	sdelay $0xd  }
0xdf: {  	_, v2, vm0 =	vpop (xrf1);
	_ =	sdelay $0x3  }
0xe0: {  	v2 =	vcvt.s32.f32 v2;
	_ =	sdelay $0x1  }
0xe1: {  	[tilespmem:v1+s10+$0x0] =	vst.idx.add.f32.msk vm0, v2  }
0xe2: {  	v1 =	vld [tilespmem:$0x1DDC0];
	_ =	sdelay $0x4  }
0xe3: {  	(xrf1) =	vunique.msk.u32 $0xffff, v1;
	_ =	sdelay $0xd  }
0xe4: {  	_, v2, vm0 =	vpop (xrf1);
	_ =	sdelay $0x1  }
.Ltmp4:
0xe5: {  	_ = 	snop;
	(pc) =	sbr.rel @p0 .LBB2_8-.Ltmp4, $3  }
0xe6: {  	_ = 	snop  }
0xe7: {  	v2 =	vcvt.s32.f32 v2;
	_ =	sdelay $0x1  }
0xe8: {  	[tilespmem:v1+s10+$0x0] =	vst.idx.add.f32.msk vm0, v2  }
0xe9: {  	s4 =	sadd.s32 s19, s22  }
0xea: {  	[tilespmem:s29], [sflag:$0x8] =	stream.linear.gather [hbm4b:s4+s6], $0x50, $0x38;
	[tilespmem:$0x1DE80] =	vst v63  }
0xeb: {  	_ =	swait.ge [sflag:s15], $0x2800  }
0xec: {  	[sflag:s15] =	ssyncset.done $0x0  }
0xed: {  	[sflag:s15] =	ssyncadd.s32 $0xFFFFD800  }
0xee: {  	_ =	swait.ge [sflag:s16], $0x50  }
0xef: {  	[sflag:s16] =	ssyncset.done $0x0  }
0xf0: {  	[sflag:s16] =	ssyncadd.s32 $0xFFFFFFB0  }
0xf1: {  	[spmem:s5] =	stream.indirect.scatter.add.f32 [tilespmem:s8], [sflag:$0x6], $0x80, s17, s30, $0xb8;
	[tilespmem:$0x1DE80] =	vst v63  }
0xf2: {  	_ =	swait.ge [sflag:s13], $0x2800  }
0xf3: {  	[sflag:s13] =	ssyncset.done $0x0  }
0xf4: {  	s28 =	sadd.s32 s19, s21;
	[sflag:s13] =	ssyncadd.s32 $0xFFFFD800  }
0xf5: {  	[tilespmem:s31], [sflag:$0xB] =	stream.linear.gather [hbm4b:s28+s6], $0x50, $0x38;
	[tilespmem:$0x1DE80] =	vst v63  }
0xf6: {  	_ =	swait.ge [sflag:s3], $0x50  }
0xf7: {  	[sflag:s3] =	ssyncset.done $0x0  }
0xf8: {  	[sflag:s3] =	ssyncadd.s32 $0xFFFFFFB0  }
0xf9: {  	[tilespmem:s7], [sflag:$0x2] =	stream.indirect.gather [hbm4b:s0+s30], $0x80, s29, s30, $0xb8;
	[tilespmem:$0x1DE80] =	vst v63  }
0xfa: {  	v1 =	vld [tilespmem:$0x1DE00];
	_ =	sdelay $0x4  }
0xfb: {  	(xrf1) =	vunique.msk.u32 $0xffff, v1;
	_ =	sdelay $0xd  }
0xfc: {  	_, v2, vm0 =	vpop (xrf1);
	_ =	sdelay $0x3  }
0xfd: {  	v2 =	vcvt.s32.f32 v2;
	_ =	sdelay $0x1  }
0xfe: {  	[tilespmem:v1+s10+$0x0] =	vst.idx.add.f32.msk vm0, v2  }
0xff: {  	v1 =	vld [tilespmem:$0x1DE10];
	_ =	sdelay $0x4  }
0x100: {  	(xrf1) =	vunique.msk.u32 $0xffff, v1;
	_ =	sdelay $0xd  }
0x101: {  	_, v2, vm0 =	vpop (xrf1);
	_ =	sdelay $0x3  }
0x102: {  	v2 =	vcvt.s32.f32 v2;
	_ =	sdelay $0x1  }
0x103: {  	[tilespmem:v1+s10+$0x0] =	vst.idx.add.f32.msk vm0, v2  }
0x104: {  	v1 =	vld [tilespmem:$0x1DE20];
	_ =	sdelay $0x4  }
0x105: {  	(xrf1) =	vunique.msk.u32 $0xffff, v1;
	_ =	sdelay $0xd  }
0x106: {  	_, v2, vm0 =	vpop (xrf1);
	_ =	sdelay $0x3  }
0x107: {  	v2 =	vcvt.s32.f32 v2;
	_ =	sdelay $0x1  }
0x108: {  	[tilespmem:v1+s10+$0x0] =	vst.idx.add.f32.msk vm0, v2  }
0x109: {  	v1 =	vld [tilespmem:$0x1DE30];
	_ =	sdelay $0x4  }
0x10a: {  	(xrf1) =	vunique.msk.u32 $0xffff, v1;
	_ =	sdelay $0xd  }
0x10b: {  	_, v2, vm0 =	vpop (xrf1);
	_ =	sdelay $0x3  }
0x10c: {  	v2 =	vcvt.s32.f32 v2;
	_ =	sdelay $0x1  }
0x10d: {  	[tilespmem:v1+s10+$0x0] =	vst.idx.add.f32.msk vm0, v2  }
0x10e: {  	v1 =	vld [tilespmem:$0x1DE40];
	_ =	sdelay $0x4  }
0x10f: {  	(xrf1) =	vunique.msk.u32 $0xffff, v1;
	_ =	sdelay $0xd  }
0x110: {  	_, v2, vm0 =	vpop (xrf1);
	_ =	sdelay $0x1  }
.Ltmp5:
0x111: {  	_ = 	snop;
	(pc) =	sbr.rel .LBB2_6-.Ltmp5, $3  }
0x112: {  	_ = 	snop  }
0x113: {  	v2 =	vcvt.s32.f32 v2;
	_ =	sdelay $0x1  }
0x114: {  	s19 =	sadd.s32 $0x1E, s19;
	s23 =	sadd.s32 $0xF0, s23;
	[tilespmem:v1+s10+$0x0] =	vst.idx.add.f32.msk vm0, v2  }
.LBB2_9:
0x115: {  	_ =	sfence.sel $0x180000  }
0x116: {  	[bflag:$0x0] =	sbarrier.arrive $0xFFFF  }
0x117: {  	_ =	strace $0x90000047  }
0x118: {  	s0 =	stileid.u32;
	[bflag:$0x2] =	sbarrier.arrive $0xFFFF  }
0x119: {  	p0 =	sne.s32 s0, $0x0;
	s0 =	rddreg [dreg:$0x6]  }
0x11a: {  	s0 =	sadd.s32 @!p0 $0x100000, s0  }
0x11b: {  	[sflag:s0] =	ssyncadd.tile.s32 @!p0 $0x1;
	_ =	shalt  }
.Lfunc_end2:
_tile_overlayer_lowered:
.L_overlay_start_2:
0x11c: {  	(tag) =	ssettag $0x2  }
0x11d: {  	s0 =	rddreg [dreg:$0x0];
	s2 =	stileid.u32  }
0x11e: {  	s1 =	rddreg [dreg:$0x1];
	p0 =	sne.s32 s2, $0x0  }
0x11f: {  	s3 =	rddreg [dreg:$0x2];
	[bflag:$0x3] =	sbarrier.arrive $0xFFFF;
	s2 =	simm.s32 @!p0 $0x1C0D  }
0x120: {  	[timem:s3], [sflag:s2] =	dma.local @!p0 [hbm:s0], s1  }
0x121: {  	s0 =	simm.s32 @!p0 $0xD  }
0x122: {  	_ =	swait.ge @!p0 [sflag:s0], s1  }
0x123: {  	s1 =	ssub.s32 @!p0 $0x0, s1;
	[sflag:s0] =	ssyncset.done @!p0 $0x0  }
0x124: {  	[sflag:s0] =	ssyncadd.s32 @!p0 s1  }
0x125: {  	[bflag:$0x3] =	sbarrier.arrive $0xFFFF  }
0x126: {  	_ =	shalt  }

</sc_bundles>
